<compile_context>
chip_gen: v7x
topology: tpu7x:2x2x1
jax: 0.10.2.dev20260603
libtpu: 0.0.44.dev20260713+nightly
codegen_flags: <defaults>
</compile_context>

<pallas_src>
import functools

import jax
import jax.numpy as jnp
from jax import lax
from jax.experimental import pallas as pl
from jax.experimental.pallas import tpu as pltpu
from jax.experimental.pallas import tpu_sc as plsc

N_NODES = 10000
N_EDGES = 320000
D = 128

NP = 10112
ROWS_PER_TILE = NP // 16
N_TILES = 32
CHUNK = 128
CHUNKS_PER_TILE = 80
EP = N_TILES * CHUNKS_PER_TILE * CHUNK
K0 = 80
WINDOW = 40
PAD_DST = 10008


def _sc_deg_body(dst_hbm, ones_hbm, zrow_hbm, deg_out, dst_v, ones_v, deg_sh):
    c = lax.axis_index("c")
    s = lax.axis_index("s")
    g = c * 16 + s
    pltpu.sync_copy(dst_hbm.at[g], dst_v)
    pltpu.sync_copy(ones_hbm, ones_v)
    pltpu.sync_copy(zrow_hbm, deg_sh.at[pl.ds(s * ROWS_PER_TILE, ROWS_PER_TILE)])
    plsc.subcore_barrier()

    def body(j, carry):
        pltpu.sync_copy(ones_v, deg_sh.at[dst_v.at[j]], add=True)
        return carry

    lax.fori_loop(0, CHUNKS_PER_TILE, body, 0)
    plsc.subcore_barrier()
    sl = pl.ds(s * ROWS_PER_TILE, ROWS_PER_TILE)
    pltpu.sync_copy(deg_sh.at[sl], deg_out.at[c, sl])


def _sc_agg_body(hs_hbm, src_hbm, dst_hbm, zrow_hbm, out_hbm,
                 src_v, dst_v, stage_v, agg_sh, sem_a, sem_b, sem_sa, sem_sb):
    c = lax.axis_index("c")
    s = lax.axis_index("s")
    g = c * 16 + s
    pltpu.sync_copy(zrow_hbm, agg_sh.at[pl.ds(s * ROWS_PER_TILE, ROWS_PER_TILE)])
    plsc.subcore_barrier()

    st_a = stage_v.at[0]
    st_b = stage_v.at[1]
    n_pairs = WINDOW // 2

    def run_window(w):
        pltpu.sync_copy(src_hbm.at[g, pl.ds(w * WINDOW, WINDOW)],
                        src_v.at[pl.ds(0, WINDOW)])
        pltpu.sync_copy(dst_hbm.at[g, pl.ds(w * WINDOW, WINDOW)],
                        dst_v.at[pl.ds(0, WINDOW)])
        pltpu.async_copy(hs_hbm.at[src_v.at[0]], st_a, sem_a)
        pltpu.async_copy(hs_hbm.at[src_v.at[1]], st_b, sem_b)

        def pair(j, carry):
            c0 = 2 * j
            pltpu.make_async_copy(hs_hbm.at[src_v.at[c0]], st_a, sem_a).wait()
            pltpu.async_copy(st_a, agg_sh.at[dst_v.at[c0]], sem_sa, add=True)
            pltpu.make_async_copy(hs_hbm.at[src_v.at[c0 + 1]], st_b,
                                  sem_b).wait()
            pltpu.async_copy(st_b, agg_sh.at[dst_v.at[c0 + 1]], sem_sb,
                             add=True)
            pltpu.make_async_copy(st_a, agg_sh.at[dst_v.at[c0]], sem_sa).wait()

            @pl.when(j < n_pairs - 1)
            def _():
                pltpu.async_copy(hs_hbm.at[src_v.at[c0 + 2]], st_a, sem_a)

            pltpu.make_async_copy(st_b, agg_sh.at[dst_v.at[c0 + 1]],
                                  sem_sb).wait()

            @pl.when(j < n_pairs - 1)
            def _():
                pltpu.async_copy(hs_hbm.at[src_v.at[c0 + 3]], st_b, sem_b)

            return carry

        lax.fori_loop(0, n_pairs, pair, 0)

    for w in range(K0 // WINDOW):
        run_window(w)

    plsc.subcore_barrier()
    sl = pl.ds(s * ROWS_PER_TILE, ROWS_PER_TILE)
    pltpu.sync_copy(agg_sh.at[sl], out_hbm.at[c, sl])


@functools.cache
def _build_sc():
    mesh = plsc.VectorSubcoreMesh(core_axis_name="c", subcore_axis_name="s")
    sc_deg = pl.kernel(
        _sc_deg_body,
        out_type=jax.ShapeDtypeStruct((2, NP, D), jnp.float32),
        mesh=mesh,
        scratch_types=[
            pltpu.VMEM((CHUNKS_PER_TILE, CHUNK), jnp.int32),
            pltpu.VMEM((CHUNK, D), jnp.float32),
            pltpu.VMEM_SHARED((NP, D), jnp.float32),
        ],
    )
    sc_agg = pl.kernel(
        _sc_agg_body,
        out_type=jax.ShapeDtypeStruct((2, NP, D), jnp.float32),
        mesh=mesh,
        scratch_types=[
            pltpu.VMEM((WINDOW + 8, CHUNK), jnp.int32),
            pltpu.VMEM((WINDOW + 8, CHUNK), jnp.int32),
            pltpu.VMEM((2, CHUNK, D), jnp.float32),
            pltpu.VMEM_SHARED((NP, D), jnp.float32),
            pltpu.SemaphoreType.DMA,
            pltpu.SemaphoreType.DMA,
            pltpu.SemaphoreType.DMA,
            pltpu.SemaphoreType.DMA,
        ],
    )
    return sc_deg, sc_agg



def _artanh(z):
    return 0.5 * jnp.log((1.0 + z) / (1.0 - z))


def _deg_inv(degp):
    deg = degp[0][:, 0:1] + degp[1][:, 0:1]
    return lax.rsqrt(jnp.maximum(deg, 1.0))


def _logmap0_scale(sq_norm):
    r = jnp.sqrt(jnp.maximum(sq_norm, 0.0))
    rc = jnp.clip(r, 1e-7, 1.0 - 1e-5)
    return _artanh(rc) / rc


def _expmap0(a):
    r = jnp.sqrt(jnp.sum(a * a, axis=1, keepdims=True))
    r = jnp.maximum(r, 1e-7)
    return jnp.tanh(r) * a / r


def _dense1_body(x_ref, w_ref, b_ref, degp_ref, out_ref):
    x = x_ref[...]
    y = x / (1.0 + x[:, 0:1])
    s2 = jnp.sum(y * y, axis=1, keepdims=True) - y[:, 0:1] ** 2
    sc = _logmap0_scale(s2)
    m = jnp.dot(y, w_ref[...], preferred_element_type=jnp.float32)
    h = sc * m + b_ref[...][None, :]
    out_ref[...] = h * _deg_inv(degp_ref[...])


def _dense2_body(aggp_ref, degp_ref, w_ref, b_ref, out_ref):
    dinv = _deg_inv(degp_ref[...])
    agg = (aggp_ref[0] + aggp_ref[1]) * dinv
    a = jnp.maximum(agg, 0.0)
    u = _expmap0(a)
    sc = _logmap0_scale(jnp.sum(u * u, axis=1, keepdims=True))
    v = sc * u
    h = jnp.dot(v, w_ref[...], preferred_element_type=jnp.float32)
    out_ref[...] = (h + b_ref[...][None, :]) * dinv


def _dense3_body(aggp_ref, degp_ref, out_ref):
    dinv = _deg_inv(degp_ref[...])
    agg = (aggp_ref[0] + aggp_ref[1]) * dinv
    out_ref[...] = _expmap0(jnp.maximum(agg, 0.0))


_out_nd = jax.ShapeDtypeStruct((NP, D), jnp.float32)
_dense1 = pl.pallas_call(_dense1_body, out_shape=_out_nd)
_dense2 = pl.pallas_call(_dense2_body, out_shape=_out_nd)
_dense3 = pl.pallas_call(_dense3_body, out_shape=_out_nd)



def kernel(x, edge_index, W1, b1, W2, b2):
    xp = jnp.pad(x, ((0, NP - N_NODES), (0, 0)))
    pad = EP - N_EDGES
    srcf = jnp.pad(edge_index[0], (0, pad))
    dstf = jnp.pad(edge_index[1], (0, pad), constant_values=PAD_DST)
    dst_deg = dstf.reshape(N_TILES, CHUNKS_PER_TILE, CHUNK)
    src = srcf.reshape(N_TILES, K0, CHUNK)
    dst = dstf.reshape(N_TILES, K0, CHUNK)

    w1s = jnp.concatenate([jnp.zeros((1, D), jnp.float32), W1], axis=0)
    ones = jnp.ones((CHUNK, D), jnp.float32)
    zrow = jnp.zeros((ROWS_PER_TILE, D), jnp.float32)

    sc_deg, sc_agg = _build_sc()
    degp = sc_deg(dst_deg, ones, zrow)
    hs1 = _dense1(xp, w1s, b1, degp)
    agg1 = sc_agg(hs1, src, dst, zrow)
    hs2 = _dense2(agg1, degp, W2, b2)
    agg2 = sc_agg(hs2, src, dst, zrow)
    out = _dense3(agg2, degp)
    return out[:N_NODES]

# --- scband reference (transcript-rebuilt; emitter-appended) ---
"""Pipeline reference for scband-hyper-gcn-69896297775355 (READ-ONLY COPY).

The authoritative reference and input builder live on the scoring server;
editing this copy changes nothing except your own understanding.
"""

import jax, jax.numpy as jnp
import numpy as np

N_NODES = 10000
N_EDGES = 320000
D_IN = 128      # Lorentz ambient dim; Poincare dim = D_IN - 1
H1 = 128
D_OUT = 128


def lorentz_to_poincare(x):
    # x: [N, d+1] on the hyperboloid; map to Poincare ball [N, d]
    return x[:, 1:] / (1.0 + x[:, :1])


def artanh(x):
    x = jnp.clip(x, -1.0 + 1e-7, 1.0 - 1e-7)
    return 0.5 * jnp.log((1.0 + x) / (1.0 - x))


def logmap0(x):
    r = jnp.linalg.norm(x, axis=-1, keepdims=True)
    r = jnp.clip(r, 1e-7, 1.0 - 1e-5)
    return artanh(r) * x / r


def expmap0(v):
    r = jnp.linalg.norm(v, axis=-1, keepdims=True)
    r = jnp.maximum(r, 1e-7)
    return jnp.tanh(r) * v / r


def hyp_layer(x, edge_index, W, b):
    # Hyperbolic GCN layer (Poincare ball, c=1):
    # logmap to tangent at origin -> linear -> symmetric-normalized GCN aggregation
    # -> relu in tangent -> expmap back to the ball.
    n = x.shape[0]
    v = logmap0(x)
    h = v @ W + b
    src = edge_index[0]
    dst = edge_index[1]
    ones = jnp.ones((src.shape[0],), dtype=h.dtype)
    deg = jax.ops.segment_sum(ones, dst, num_segments=n)
    deg = jnp.maximum(deg, 1.0)
    norm = 1.0 / jnp.sqrt(deg[src] * deg[dst])
    msg = h[src] * norm[:, None]
    agg = jnp.zeros((n, h.shape[1]), dtype=h.dtype).at[dst].add(msg)
    agg = jax.nn.relu(agg)
    return expmap0(agg)


def setup_inputs(seed: int = 0):
    key = jax.random.key(seed)
    k1, k2, k3, k4 = jax.random.split(key, 4)
    # Valid Lorentz-model points: x0 = sqrt(1 + ||x_space||^2)
    xs = jax.random.normal(k1, (N_NODES, D_IN - 1), dtype=jnp.float32) * 0.1
    x0 = jnp.sqrt(1.0 + jnp.sum(xs * xs, axis=-1, keepdims=True))
    x = jnp.concatenate([x0, xs], axis=-1)
    edge_index = jax.random.randint(k2, (2, N_EDGES), 0, N_NODES, dtype=jnp.int32)
    W1 = jax.random.normal(k3, (D_IN - 1, H1), dtype=jnp.float32) * (1.0 / np.sqrt(D_IN - 1))
    b1 = jnp.zeros((H1,), dtype=jnp.float32)
    W2 = jax.random.normal(k4, (H1, D_OUT), dtype=jnp.float32) * (1.0 / np.sqrt(H1))
    b2 = jnp.zeros((D_OUT,), dtype=jnp.float32)
    return {"x": x, "edge_index": edge_index, "W1": W1, "b1": b1, "W2": W2, "b2": b2}


def reference(x, edge_index, W1, b1, W2, b2):
    p = lorentz_to_poincare(x)
    h = hyp_layer(p, edge_index, W1, b1)
    out = hyp_layer(h, edge_index, W2, b2)
    return out

if __name__ == "__main__":
    import jax
    _d = setup_inputs()
    print(jax.jit(kernel)(*tuple(_d.values())))

</pallas_src>

<mosaic_0001>
#map = affine_map<(d0, d1) -> (0, 0, 0)>
#map1 = affine_map<(d0, d1) -> (0, 0)>
module attributes {stable_mosaic.version = 14 : i64} {
  func.func @_sc_deg_body(%arg0: i32, %arg1: i32, %arg2: memref<32x80x128xi32, #tpu.memory_space<hbm>>, %arg3: memref<128x128xf32, #tpu.memory_space<hbm>>, %arg4: memref<632x128xf32, #tpu.memory_space<hbm>>, %arg5: memref<2x10112x128xf32, #tpu.memory_space<hbm>>, %arg6: memref<80x128xi32, #tpu.memory_space<vmem>>, %arg7: memref<128x128xf32, #tpu.memory_space<vmem>>, %arg8: memref<10112x128xf32, #tpu.memory_space<vmem_shared>>) attributes {dimension_semantics = [#tpu.dimension_semantics<core_parallel>, #tpu.dimension_semantics<subcore_parallel>], iteration_bounds = array<i64: 2, 16>, scalar_prefetch = 0 : i64, scratch_operands = 3 : i64, tpu.core_type = #tpu.core_type<sc_vector_subcore>, window_params = [{transform_indices = #map}, {transform_indices = #map1}, {transform_indices = #map1}, {transform_indices = #map}]} {
    %mul3A = arith.constant 16 : i32
    %mul3A_0 = arith.muli %arg0, %mul3A : i32
    %add3A = arith.addi %mul3A_0, %arg1 : i32
    "tpu.region"() ({
      %run_scoped3A = tpu.sem_alloc : memref<!tpu.dma_semaphore, #tpu.memory_space<semaphore_mem>>
      %dma_start3A = arith.constant 0 : i32
      %dma_start3A_11 = arith.constant 0 : i32
      %dma_start3A_12 = tpu.memref_slice %arg2[%add3A, %dma_start3A, %dma_start3A_11] : memref<32x80x128xi32, #tpu.memory_space<hbm>> -> memref<1x80x128xi32, #tpu.memory_space<hbm>>
      %dma_start3A_13 = tpu.memref_squeeze %dma_start3A_12 : memref<1x80x128xi32, #tpu.memory_space<hbm>> -> memref<80x128xi32, #tpu.memory_space<hbm>>
      %dma_start3A_14 = arith.constant 0 : i32
      %dma_start3A_15 = arith.constant 0 : i32
      %dma_start3A_16 = tpu.memref_slice %arg2[%add3A, %dma_start3A_14, %dma_start3A_15] : memref<32x80x128xi32, #tpu.memory_space<hbm>> -> memref<1x80x128xi32, #tpu.memory_space<hbm>>
      %dma_start3A_17 = tpu.memref_squeeze %dma_start3A_16 : memref<1x80x128xi32, #tpu.memory_space<hbm>> -> memref<80x128xi32, #tpu.memory_space<hbm>>
      tpu.enqueue_dma source(%dma_start3A_17 : memref<80x128xi32, #tpu.memory_space<hbm>>) target(%arg6 : memref<80x128xi32, #tpu.memory_space<vmem>>) target_semaphore(%run_scoped3A : memref<!tpu.dma_semaphore, #tpu.memory_space<semaphore_mem>>)
      %dma_wait3A = arith.constant 0 : i32
      %dma_wait3A_18 = arith.constant 0 : i32
      %dma_wait3A_19 = tpu.memref_slice %arg2[%add3A, %dma_wait3A, %dma_wait3A_18] : memref<32x80x128xi32, #tpu.memory_space<hbm>> -> memref<1x80x128xi32, #tpu.memory_space<hbm>>
      %dma_wait3A_20 = tpu.memref_squeeze %dma_wait3A_19 : memref<1x80x128xi32, #tpu.memory_space<hbm>> -> memref<80x128xi32, #tpu.memory_space<hbm>>
      %dma_wait3A_21 = arith.constant 0 : i32
      %dma_wait3A_22 = arith.constant 0 : i32
      %dma_wait3A_23 = tpu.memref_slice %arg2[%add3A, %dma_wait3A_21, %dma_wait3A_22] : memref<32x80x128xi32, #tpu.memory_space<hbm>> -> memref<1x80x128xi32, #tpu.memory_space<hbm>>
      %dma_wait3A_24 = tpu.memref_squeeze %dma_wait3A_23 : memref<1x80x128xi32, #tpu.memory_space<hbm>> -> memref<80x128xi32, #tpu.memory_space<hbm>>
      tpu.wait_dma2 semaphore(%run_scoped3A : memref<!tpu.dma_semaphore, #tpu.memory_space<semaphore_mem>>) src(%dma_wait3A_24 : memref<80x128xi32, #tpu.memory_space<hbm>>) dst(%arg6 : memref<80x128xi32, #tpu.memory_space<vmem>>)
      tpu.yield
    }) : () -> ()
    "tpu.region"() ({
      %run_scoped3A = tpu.sem_alloc : memref<!tpu.dma_semaphore, #tpu.memory_space<semaphore_mem>>
      tpu.enqueue_dma source(%arg3 : memref<128x128xf32, #tpu.memory_space<hbm>>) target(%arg7 : memref<128x128xf32, #tpu.memory_space<vmem>>) target_semaphore(%run_scoped3A : memref<!tpu.dma_semaphore, #tpu.memory_space<semaphore_mem>>)
      tpu.wait_dma2 semaphore(%run_scoped3A : memref<!tpu.dma_semaphore, #tpu.memory_space<semaphore_mem>>) src(%arg3 : memref<128x128xf32, #tpu.memory_space<hbm>>) dst(%arg7 : memref<128x128xf32, #tpu.memory_space<vmem>>)
      tpu.yield
    }) : () -> ()
    %mul3A_1 = arith.constant 632 : i32
    %mul3A_2 = arith.muli %arg1, %mul3A_1 : i32
    "tpu.region"() ({
      %run_scoped3A = tpu.sem_alloc : memref<!tpu.dma_semaphore, #tpu.memory_space<semaphore_mem>>
      %dma_start3A = arith.constant 0 : i32
      %dma_start3A_11 = tpu.memref_slice %arg8[%mul3A_2, %dma_start3A] : memref<10112x128xf32, #tpu.memory_space<vmem_shared>> -> memref<632x128xf32, #tpu.memory_space<vmem_shared>>
      tpu.enqueue_dma source(%arg4 : memref<632x128xf32, #tpu.memory_space<hbm>>) target(%dma_start3A_11 : memref<632x128xf32, #tpu.memory_space<vmem_shared>>) target_semaphore(%run_scoped3A : memref<!tpu.dma_semaphore, #tpu.memory_space<semaphore_mem>>)
      %dma_wait3A = arith.constant 0 : i32
      %dma_wait3A_12 = tpu.memref_slice %arg8[%mul3A_2, %dma_wait3A] : memref<10112x128xf32, #tpu.memory_space<vmem_shared>> -> memref<632x128xf32, #tpu.memory_space<vmem_shared>>
      tpu.wait_dma2 semaphore(%run_scoped3A : memref<!tpu.dma_semaphore, #tpu.memory_space<semaphore_mem>>) src(%arg4 : memref<632x128xf32, #tpu.memory_space<hbm>>) dst(%dma_wait3A_12 : memref<632x128xf32, #tpu.memory_space<vmem_shared>>)
      tpu.yield
    }) : () -> ()
    %barrier3A = arith.constant 0 : index
    tpu.barrier barrier_id(%barrier3A)
    %scan3A = arith.constant 0 : i32
    %scan3A_3 = arith.constant 0 : i32
    %scan3A_4 = arith.constant 80 : i32
    %scan3A_5 = arith.addi %scan3A_3, %scan3A_4 : i32
    %scan3A_6 = arith.constant 1 : i32
    scf.for %scan3A_11 = %scan3A_3 to %scan3A_5 step %scan3A_6  : i32 {
      "tpu.region"() ({
        %run_scoped3A = tpu.sem_alloc : memref<!tpu.dma_semaphore, #tpu.memory_space<semaphore_mem>>
        %dma_start3A = arith.constant 0 : i32
        %dma_start3A_12 = tpu.memref_slice %arg6[%scan3A_11, %dma_start3A] : memref<80x128xi32, #tpu.memory_space<vmem>> -> memref<1x128xi32, #tpu.memory_space<vmem>>
        %dma_start3A_13 = tpu.memref_squeeze %dma_start3A_12 : memref<1x128xi32, #tpu.memory_space<vmem>> -> memref<128xi32, #tpu.memory_space<vmem>>
        %dma_start3A_14 = arith.constant 0 : i32
        %dma_start3A_15 = arith.constant 0 : i32
        %dma_start3A_16 = tpu.memref_slice %arg8[%dma_start3A_14, %dma_start3A_15] : memref<10112x128xf32, #tpu.memory_space<vmem_shared>> -> memref<10112x128xf32, #tpu.memory_space<vmem_shared>>
        tpu.enqueue_indirect_dma source(%arg7 : memref<128x128xf32, #tpu.memory_space<vmem>>) target(%dma_start3A_16 : memref<10112x128xf32, #tpu.memory_space<vmem_shared>>) offsets(%dma_start3A_13 : memref<128xi32, #tpu.memory_space<vmem>>) semaphore(%run_scoped3A : memref<!tpu.dma_semaphore, #tpu.memory_space<semaphore_mem>>) {add = true}
        %dma_wait3A = arith.constant 0 : i32
        %dma_wait3A_17 = tpu.memref_slice %arg6[%scan3A_11, %dma_wait3A] : memref<80x128xi32, #tpu.memory_space<vmem>> -> memref<1x128xi32, #tpu.memory_space<vmem>>
        %dma_wait3A_18 = tpu.memref_squeeze %dma_wait3A_17 : memref<1x128xi32, #tpu.memory_space<vmem>> -> memref<128xi32, #tpu.memory_space<vmem>>
        %dma_wait3A_19 = arith.constant 0 : i32
        %dma_wait3A_20 = arith.constant 0 : i32
        %dma_wait3A_21 = tpu.memref_slice %arg8[%dma_wait3A_19, %dma_wait3A_20] : memref<10112x128xf32, #tpu.memory_space<vmem_shared>> -> memref<10112x128xf32, #tpu.memory_space<vmem_shared>>
        tpu.wait_indirect_dma semaphore(%run_scoped3A : memref<!tpu.dma_semaphore, #tpu.memory_space<semaphore_mem>>) src(%arg7 : memref<128x128xf32, #tpu.memory_space<vmem>>) dst(%dma_wait3A_21 : memref<10112x128xf32, #tpu.memory_space<vmem_shared>>)
        tpu.yield
      }) : () -> ()
    }
    %scan3A_7 = arith.constant 80 : i32
    %barrier3A_8 = arith.constant 0 : index
    tpu.barrier barrier_id(%barrier3A_8)
    %mul3A_9 = arith.constant 632 : i32
    %mul3A_10 = arith.muli %arg1, %mul3A_9 : i32
    "tpu.region"() ({
      %run_scoped3A = tpu.sem_alloc : memref<!tpu.dma_semaphore, #tpu.memory_space<semaphore_mem>>
      %dma_start3A = arith.constant 0 : i32
      %dma_start3A_11 = tpu.memref_slice %arg5[%arg0, %mul3A_10, %dma_start3A] : memref<2x10112x128xf32, #tpu.memory_space<hbm>> -> memref<1x632x128xf32, #tpu.memory_space<hbm>>
      %dma_start3A_12 = tpu.memref_squeeze %dma_start3A_11 : memref<1x632x128xf32, #tpu.memory_space<hbm>> -> memref<632x128xf32, #tpu.memory_space<hbm>>
      %dma_start3A_13 = arith.constant 0 : i32
      %dma_start3A_14 = tpu.memref_slice %arg8[%mul3A_10, %dma_start3A_13] : memref<10112x128xf32, #tpu.memory_space<vmem_shared>> -> memref<632x128xf32, #tpu.memory_space<vmem_shared>>
      tpu.enqueue_dma source(%dma_start3A_14 : memref<632x128xf32, #tpu.memory_space<vmem_shared>>) target(%dma_start3A_12 : memref<632x128xf32, #tpu.memory_space<hbm>>) target_semaphore(%run_scoped3A : memref<!tpu.dma_semaphore, #tpu.memory_space<semaphore_mem>>)
      %dma_wait3A = arith.constant 0 : i32
      %dma_wait3A_15 = tpu.memref_slice %arg5[%arg0, %mul3A_10, %dma_wait3A] : memref<2x10112x128xf32, #tpu.memory_space<hbm>> -> memref<1x632x128xf32, #tpu.memory_space<hbm>>
      %dma_wait3A_16 = tpu.memref_squeeze %dma_wait3A_15 : memref<1x632x128xf32, #tpu.memory_space<hbm>> -> memref<632x128xf32, #tpu.memory_space<hbm>>
      %dma_wait3A_17 = arith.constant 0 : i32
      %dma_wait3A_18 = tpu.memref_slice %arg8[%mul3A_10, %dma_wait3A_17] : memref<10112x128xf32, #tpu.memory_space<vmem_shared>> -> memref<632x128xf32, #tpu.memory_space<vmem_shared>>
      tpu.wait_dma2 semaphore(%run_scoped3A : memref<!tpu.dma_semaphore, #tpu.memory_space<semaphore_mem>>) src(%dma_wait3A_18 : memref<632x128xf32, #tpu.memory_space<vmem_shared>>) dst(%dma_wait3A_16 : memref<632x128xf32, #tpu.memory_space<hbm>>)
      tpu.yield
    }) : () -> ()
    return
  }
}

#map = affine_map<(d0, d1) -> (0, 0)>
#map1 = affine_map<(d0, d1) -> (0, 0, 0)>
module attributes {stable_mosaic.version = 14 : i64} {
  func.func @_sc_agg_body(%arg0: i32, %arg1: i32, %arg2: memref<10112x128xf32, #tpu.memory_space<hbm>>, %arg3: memref<32x80x128xi32, #tpu.memory_space<hbm>>, %arg4: memref<32x80x128xi32, #tpu.memory_space<hbm>>, %arg5: memref<632x128xf32, #tpu.memory_space<hbm>>, %arg6: memref<2x10112x128xf32, #tpu.memory_space<hbm>>, %arg7: memref<48x128xi32, #tpu.memory_space<vmem>>, %arg8: memref<48x128xi32, #tpu.memory_space<vmem>>, %arg9: memref<2x128x128xf32, #tpu.memory_space<vmem>>, %arg10: memref<10112x128xf32, #tpu.memory_space<vmem_shared>>, %arg11: memref<!tpu.dma_semaphore, #tpu.memory_space<semaphore_mem>>, %arg12: memref<!tpu.dma_semaphore, #tpu.memory_space<semaphore_mem>>, %arg13: memref<!tpu.dma_semaphore, #tpu.memory_space<semaphore_mem>>, %arg14: memref<!tpu.dma_semaphore, #tpu.memory_space<semaphore_mem>>) attributes {dimension_semantics = [#tpu.dimension_semantics<core_parallel>, #tpu.dimension_semantics<subcore_parallel>], iteration_bounds = array<i64: 2, 16>, scalar_prefetch = 0 : i64, scratch_operands = 8 : i64, tpu.core_type = #tpu.core_type<sc_vector_subcore>, window_params = [{transform_indices = #map}, {transform_indices = #map1}, {transform_indices = #map1}, {transform_indices = #map}, {transform_indices = #map1}]} {
    %mul3A = arith.constant 16 : i32
    %mul3A_0 = arith.muli %arg0, %mul3A : i32
    %add3A = arith.addi %mul3A_0, %arg1 : i32
    %mul3A_1 = arith.constant 632 : i32
    %mul3A_2 = arith.muli %arg1, %mul3A_1 : i32
    "tpu.region"() ({
      %run_scoped3A = tpu.sem_alloc : memref<!tpu.dma_semaphore, #tpu.memory_space<semaphore_mem>>
      %dma_start3A_68 = arith.constant 0 : i32
      %dma_start3A_69 = tpu.memref_slice %arg10[%mul3A_2, %dma_start3A_68] : memref<10112x128xf32, #tpu.memory_space<vmem_shared>> -> memref<632x128xf32, #tpu.memory_space<vmem_shared>>
      tpu.enqueue_dma source(%arg5 : memref<632x128xf32, #tpu.memory_space<hbm>>) target(%dma_start3A_69 : memref<632x128xf32, #tpu.memory_space<vmem_shared>>) target_semaphore(%run_scoped3A : memref<!tpu.dma_semaphore, #tpu.memory_space<semaphore_mem>>)
      %dma_wait3A = arith.constant 0 : i32
      %dma_wait3A_70 = tpu.memref_slice %arg10[%mul3A_2, %dma_wait3A] : memref<10112x128xf32, #tpu.memory_space<vmem_shared>> -> memref<632x128xf32, #tpu.memory_space<vmem_shared>>
      tpu.wait_dma2 semaphore(%run_scoped3A : memref<!tpu.dma_semaphore, #tpu.memory_space<semaphore_mem>>) src(%arg5 : memref<632x128xf32, #tpu.memory_space<hbm>>) dst(%dma_wait3A_70 : memref<632x128xf32, #tpu.memory_space<vmem_shared>>)
      tpu.yield
    }) : () -> ()
    %barrier3A = arith.constant 0 : index
    tpu.barrier barrier_id(%barrier3A)
    "tpu.region"() ({
      %run_scoped3A = tpu.sem_alloc : memref<!tpu.dma_semaphore, #tpu.memory_space<semaphore_mem>>
      %dma_start3A_68 = arith.constant 0 : i32
      %dma_start3A_69 = arith.constant 0 : i32
      %dma_start3A_70 = tpu.memref_slice %arg7[%dma_start3A_68, %dma_start3A_69] : memref<48x128xi32, #tpu.memory_space<vmem>> -> memref<40x128xi32, #tpu.memory_space<vmem>>
      %dma_start3A_71 = arith.constant 0 : i32
      %dma_start3A_72 = arith.constant 0 : i32
      %dma_start3A_73 = tpu.memref_slice %arg3[%add3A, %dma_start3A_71, %dma_start3A_72] : memref<32x80x128xi32, #tpu.memory_space<hbm>> -> memref<1x40x128xi32, #tpu.memory_space<hbm>>
      %dma_start3A_74 = tpu.memref_squeeze %dma_start3A_73 : memref<1x40x128xi32, #tpu.memory_space<hbm>> -> memref<40x128xi32, #tpu.memory_space<hbm>>
      %dma_start3A_75 = arith.constant 0 : i32
      %dma_start3A_76 = arith.constant 0 : i32
      %dma_start3A_77 = tpu.memref_slice %arg7[%dma_start3A_75, %dma_start3A_76] : memref<48x128xi32, #tpu.memory_space<vmem>> -> memref<40x128xi32, #tpu.memory_space<vmem>>
      %dma_start3A_78 = arith.constant 0 : i32
      %dma_start3A_79 = arith.constant 0 : i32
      %dma_start3A_80 = tpu.memref_slice %arg3[%add3A, %dma_start3A_78, %dma_start3A_79] : memref<32x80x128xi32, #tpu.memory_space<hbm>> -> memref<1x40x128xi32, #tpu.memory_space<hbm>>
      %dma_start3A_81 = tpu.memref_squeeze %dma_start3A_80 : memref<1x40x128xi32, #tpu.memory_space<hbm>> -> memref<40x128xi32, #tpu.memory_space<hbm>>
      tpu.enqueue_dma source(%dma_start3A_81 : memref<40x128xi32, #tpu.memory_space<hbm>>) target(%dma_start3A_77 : memref<40x128xi32, #tpu.memory_space<vmem>>) target_semaphore(%run_scoped3A : memref<!tpu.dma_semaphore, #tpu.memory_space<semaphore_mem>>)
      %dma_wait3A = arith.constant 0 : i32
      %dma_wait3A_82 = arith.constant 0 : i32
      %dma_wait3A_83 = tpu.memref_slice %arg7[%dma_wait3A, %dma_wait3A_82] : memref<48x128xi32, #tpu.memory_space<vmem>> -> memref<40x128xi32, #tpu.memory_space<vmem>>
      %dma_wait3A_84 = arith.constant 0 : i32
      %dma_wait3A_85 = arith.constant 0 : i32
      %dma_wait3A_86 = tpu.memref_slice %arg3[%add3A, %dma_wait3A_84, %dma_wait3A_85] : memref<32x80x128xi32, #tpu.memory_space<hbm>> -> memref<1x40x128xi32, #tpu.memory_space<hbm>>
      %dma_wait3A_87 = tpu.memref_squeeze %dma_wait3A_86 : memref<1x40x128xi32, #tpu.memory_space<hbm>> -> memref<40x128xi32, #tpu.memory_space<hbm>>
      %dma_wait3A_88 = arith.constant 0 : i32
      %dma_wait3A_89 = arith.constant 0 : i32
      %dma_wait3A_90 = tpu.memref_slice %arg7[%dma_wait3A_88, %dma_wait3A_89] : memref<48x128xi32, #tpu.memory_space<vmem>> -> memref<40x128xi32, #tpu.memory_space<vmem>>
      %dma_wait3A_91 = arith.constant 0 : i32
      %dma_wait3A_92 = arith.constant 0 : i32
      %dma_wait3A_93 = tpu.memref_slice %arg3[%add3A, %dma_wait3A_91, %dma_wait3A_92] : memref<32x80x128xi32, #tpu.memory_space<hbm>> -> memref<1x40x128xi32, #tpu.memory_space<hbm>>
      %dma_wait3A_94 = tpu.memref_squeeze %dma_wait3A_93 : memref<1x40x128xi32, #tpu.memory_space<hbm>> -> memref<40x128xi32, #tpu.memory_space<hbm>>
      tpu.wait_dma2 semaphore(%run_scoped3A : memref<!tpu.dma_semaphore, #tpu.memory_space<semaphore_mem>>) src(%dma_wait3A_94 : memref<40x128xi32, #tpu.memory_space<hbm>>) dst(%dma_wait3A_90 : memref<40x128xi32, #tpu.memory_space<vmem>>)
      tpu.yield
    }) : () -> ()
    "tpu.region"() ({
      %run_scoped3A = tpu.sem_alloc : memref<!tpu.dma_semaphore, #tpu.memory_space<semaphore_mem>>
      %dma_start3A_68 = arith.constant 0 : i32
      %dma_start3A_69 = arith.constant 0 : i32
      %dma_start3A_70 = tpu.memref_slice %arg8[%dma_start3A_68, %dma_start3A_69] : memref<48x128xi32, #tpu.memory_space<vmem>> -> memref<40x128xi32, #tpu.memory_space<vmem>>
      %dma_start3A_71 = arith.constant 0 : i32
      %dma_start3A_72 = arith.constant 0 : i32
      %dma_start3A_73 = tpu.memref_slice %arg4[%add3A, %dma_start3A_71, %dma_start3A_72] : memref<32x80x128xi32, #tpu.memory_space<hbm>> -> memref<1x40x128xi32, #tpu.memory_space<hbm>>
      %dma_start3A_74 = tpu.memref_squeeze %dma_start3A_73 : memref<1x40x128xi32, #tpu.memory_space<hbm>> -> memref<40x128xi32, #tpu.memory_space<hbm>>
      %dma_start3A_75 = arith.constant 0 : i32
      %dma_start3A_76 = arith.constant 0 : i32
      %dma_start3A_77 = tpu.memref_slice %arg8[%dma_start3A_75, %dma_start3A_76] : memref<48x128xi32, #tpu.memory_space<vmem>> -> memref<40x128xi32, #tpu.memory_space<vmem>>
      %dma_start3A_78 = arith.constant 0 : i32
      %dma_start3A_79 = arith.constant 0 : i32
      %dma_start3A_80 = tpu.memref_slice %arg4[%add3A, %dma_start3A_78, %dma_start3A_79] : memref<32x80x128xi32, #tpu.memory_space<hbm>> -> memref<1x40x128xi32, #tpu.memory_space<hbm>>
      %dma_start3A_81 = tpu.memref_squeeze %dma_start3A_80 : memref<1x40x128xi32, #tpu.memory_space<hbm>> -> memref<40x128xi32, #tpu.memory_space<hbm>>
      tpu.enqueue_dma source(%dma_start3A_81 : memref<40x128xi32, #tpu.memory_space<hbm>>) target(%dma_start3A_77 : memref<40x128xi32, #tpu.memory_space<vmem>>) target_semaphore(%run_scoped3A : memref<!tpu.dma_semaphore, #tpu.memory_space<semaphore_mem>>)
      %dma_wait3A = arith.constant 0 : i32
      %dma_wait3A_82 = arith.constant 0 : i32
      %dma_wait3A_83 = tpu.memref_slice %arg8[%dma_wait3A, %dma_wait3A_82] : memref<48x128xi32, #tpu.memory_space<vmem>> -> memref<40x128xi32, #tpu.memory_space<vmem>>
      %dma_wait3A_84 = arith.constant 0 : i32
      %dma_wait3A_85 = arith.constant 0 : i32
      %dma_wait3A_86 = tpu.memref_slice %arg4[%add3A, %dma_wait3A_84, %dma_wait3A_85] : memref<32x80x128xi32, #tpu.memory_space<hbm>> -> memref<1x40x128xi32, #tpu.memory_space<hbm>>
      %dma_wait3A_87 = tpu.memref_squeeze %dma_wait3A_86 : memref<1x40x128xi32, #tpu.memory_space<hbm>> -> memref<40x128xi32, #tpu.memory_space<hbm>>
      %dma_wait3A_88 = arith.constant 0 : i32
      %dma_wait3A_89 = arith.constant 0 : i32
      %dma_wait3A_90 = tpu.memref_slice %arg8[%dma_wait3A_88, %dma_wait3A_89] : memref<48x128xi32, #tpu.memory_space<vmem>> -> memref<40x128xi32, #tpu.memory_space<vmem>>
      %dma_wait3A_91 = arith.constant 0 : i32
      %dma_wait3A_92 = arith.constant 0 : i32
      %dma_wait3A_93 = tpu.memref_slice %arg4[%add3A, %dma_wait3A_91, %dma_wait3A_92] : memref<32x80x128xi32, #tpu.memory_space<hbm>> -> memref<1x40x128xi32, #tpu.memory_space<hbm>>
      %dma_wait3A_94 = tpu.memref_squeeze %dma_wait3A_93 : memref<1x40x128xi32, #tpu.memory_space<hbm>> -> memref<40x128xi32, #tpu.memory_space<hbm>>
      tpu.wait_dma2 semaphore(%run_scoped3A : memref<!tpu.dma_semaphore, #tpu.memory_space<semaphore_mem>>) src(%dma_wait3A_94 : memref<40x128xi32, #tpu.memory_space<hbm>>) dst(%dma_wait3A_90 : memref<40x128xi32, #tpu.memory_space<vmem>>)
      tpu.yield
    }) : () -> ()
    %dma_start3A = arith.constant 0 : i32
    %dma_start3A_3 = arith.constant 0 : i32
    %dma_start3A_4 = arith.constant 0 : i32
    %dma_start3A_5 = arith.constant 0 : i32
    %dma_start3A_6 = tpu.memref_slice %arg9[%dma_start3A_3, %dma_start3A_4, %dma_start3A_5] : memref<2x128x128xf32, #tpu.memory_space<vmem>> -> memref<1x128x128xf32, #tpu.memory_space<vmem>>
    %dma_start3A_7 = tpu.memref_squeeze %dma_start3A_6 : memref<1x128x128xf32, #tpu.memory_space<vmem>> -> memref<128x128xf32, #tpu.memory_space<vmem>>
    %dma_start3A_8 = arith.constant 0 : i32
    %dma_start3A_9 = tpu.memref_slice %arg7[%dma_start3A, %dma_start3A_8] : memref<48x128xi32, #tpu.memory_space<vmem>> -> memref<1x128xi32, #tpu.memory_space<vmem>>
    %dma_start3A_10 = tpu.memref_squeeze %dma_start3A_9 : memref<1x128xi32, #tpu.memory_space<vmem>> -> memref<128xi32, #tpu.memory_space<vmem>>
    %dma_start3A_11 = arith.constant 0 : i32
    %dma_start3A_12 = arith.constant 0 : i32
    %dma_start3A_13 = tpu.memref_slice %arg2[%dma_start3A_11, %dma_start3A_12] : memref<10112x128xf32, #tpu.memory_space<hbm>> -> memref<10112x128xf32, #tpu.memory_space<hbm>>
    tpu.enqueue_indirect_dma source(%dma_start3A_13 : memref<10112x128xf32, #tpu.memory_space<hbm>>) target(%dma_start3A_7 : memref<128x128xf32, #tpu.memory_space<vmem>>) offsets(%dma_start3A_10 : memref<128xi32, #tpu.memory_space<vmem>>) semaphore(%arg11 : memref<!tpu.dma_semaphore, #tpu.memory_space<semaphore_mem>>)
    %dma_start3A_14 = arith.constant 1 : i32
    %dma_start3A_15 = arith.constant 1 : i32
    %dma_start3A_16 = arith.constant 0 : i32
    %dma_start3A_17 = arith.constant 0 : i32
    %dma_start3A_18 = tpu.memref_slice %arg9[%dma_start3A_15, %dma_start3A_16, %dma_start3A_17] : memref<2x128x128xf32, #tpu.memory_space<vmem>> -> memref<1x128x128xf32, #tpu.memory_space<vmem>>
    %dma_start3A_19 = tpu.memref_squeeze %dma_start3A_18 : memref<1x128x128xf32, #tpu.memory_space<vmem>> -> memref<128x128xf32, #tpu.memory_space<vmem>>
    %dma_start3A_20 = arith.constant 0 : i32
    %dma_start3A_21 = tpu.memref_slice %arg7[%dma_start3A_14, %dma_start3A_20] : memref<48x128xi32, #tpu.memory_space<vmem>> -> memref<1x128xi32, #tpu.memory_space<vmem>>
    %dma_start3A_22 = tpu.memref_squeeze %dma_start3A_21 : memref<1x128xi32, #tpu.memory_space<vmem>> -> memref<128xi32, #tpu.memory_space<vmem>>
    %dma_start3A_23 = arith.constant 0 : i32
    %dma_start3A_24 = arith.constant 0 : i32
    %dma_start3A_25 = tpu.memref_slice %arg2[%dma_start3A_23, %dma_start3A_24] : memref<10112x128xf32, #tpu.memory_space<hbm>> -> memref<10112x128xf32, #tpu.memory_space<hbm>>
    tpu.enqueue_indirect_dma source(%dma_start3A_25 : memref<10112x128xf32, #tpu.memory_space<hbm>>) target(%dma_start3A_19 : memref<128x128xf32, #tpu.memory_space<vmem>>) offsets(%dma_start3A_22 : memref<128xi32, #tpu.memory_space<vmem>>) semaphore(%arg12 : memref<!tpu.dma_semaphore, #tpu.memory_space<semaphore_mem>>)
    %scan3A = arith.constant 0 : i32
    %scan3A_26 = arith.constant 0 : i32
    %scan3A_27 = arith.constant 1 : i32
    %scan3A_28 = arith.constant 0 : i32
    %scan3A_29 = arith.constant 20 : i32
    %scan3A_30 = arith.addi %scan3A_28, %scan3A_29 : i32
    %scan3A_31 = arith.constant 1 : i32
    scf.for %scan3A_68 = %scan3A_28 to %scan3A_30 step %scan3A_31  : i32 {
      %mul3A_69 = arith.constant 2 : i32
      %mul3A_70 = arith.muli %mul3A_69, %scan3A_68 : i32
      %dma_wait3A = arith.constant 0 : i32
      %dma_wait3A_71 = arith.constant 0 : i32
      %dma_wait3A_72 = tpu.memref_slice %arg9[%scan3A_26, %dma_wait3A, %dma_wait3A_71] : memref<2x128x128xf32, #tpu.memory_space<vmem>> -> memref<1x128x128xf32, #tpu.memory_space<vmem>>
      %dma_wait3A_73 = tpu.memref_squeeze %dma_wait3A_72 : memref<1x128x128xf32, #tpu.memory_space<vmem>> -> memref<128x128xf32, #tpu.memory_space<vmem>>
      %dma_wait3A_74 = arith.constant 0 : i32
      %dma_wait3A_75 = tpu.memref_slice %arg7[%mul3A_70, %dma_wait3A_74] : memref<48x128xi32, #tpu.memory_space<vmem>> -> memref<1x128xi32, #tpu.memory_space<vmem>>
      %dma_wait3A_76 = tpu.memref_squeeze %dma_wait3A_75 : memref<1x128xi32, #tpu.memory_space<vmem>> -> memref<128xi32, #tpu.memory_space<vmem>>
      %dma_wait3A_77 = arith.constant 0 : i32
      %dma_wait3A_78 = arith.constant 0 : i32
      %dma_wait3A_79 = tpu.memref_slice %arg2[%dma_wait3A_77, %dma_wait3A_78] : memref<10112x128xf32, #tpu.memory_space<hbm>> -> memref<10112x128xf32, #tpu.memory_space<hbm>>
      tpu.wait_indirect_dma semaphore(%arg11 : memref<!tpu.dma_semaphore, #tpu.memory_space<semaphore_mem>>) src(%dma_wait3A_79 : memref<10112x128xf32, #tpu.memory_space<hbm>>) dst(%dma_wait3A_73 : memref<128x128xf32, #tpu.memory_space<vmem>>)
      %dma_start3A_80 = arith.constant 0 : i32
      %dma_start3A_81 = arith.constant 0 : i32
      %dma_start3A_82 = tpu.memref_slice %arg9[%scan3A_26, %dma_start3A_80, %dma_start3A_81] : memref<2x128x128xf32, #tpu.memory_space<vmem>> -> memref<1x128x128xf32, #tpu.memory_space<vmem>>
      %dma_start3A_83 = tpu.memref_squeeze %dma_start3A_82 : memref<1x128x128xf32, #tpu.memory_space<vmem>> -> memref<128x128xf32, #tpu.memory_space<vmem>>
      %dma_start3A_84 = arith.constant 0 : i32
      %dma_start3A_85 = tpu.memref_slice %arg8[%mul3A_70, %dma_start3A_84] : memref<48x128xi32, #tpu.memory_space<vmem>> -> memref<1x128xi32, #tpu.memory_space<vmem>>
      %dma_start3A_86 = tpu.memref_squeeze %dma_start3A_85 : memref<1x128xi32, #tpu.memory_space<vmem>> -> memref<128xi32, #tpu.memory_space<vmem>>
      %dma_start3A_87 = arith.constant 0 : i32
      %dma_start3A_88 = arith.constant 0 : i32
      %dma_start3A_89 = tpu.memref_slice %arg10[%dma_start3A_87, %dma_start3A_88] : memref<10112x128xf32, #tpu.memory_space<vmem_shared>> -> memref<10112x128xf32, #tpu.memory_space<vmem_shared>>
      tpu.enqueue_indirect_dma source(%dma_start3A_83 : memref<128x128xf32, #tpu.memory_space<vmem>>) target(%dma_start3A_89 : memref<10112x128xf32, #tpu.memory_space<vmem_shared>>) offsets(%dma_start3A_86 : memref<128xi32, #tpu.memory_space<vmem>>) semaphore(%arg13 : memref<!tpu.dma_semaphore, #tpu.memory_space<semaphore_mem>>) {add = true}
      %add3A_90 = arith.constant 1 : i32
      %add3A_91 = arith.addi %mul3A_70, %add3A_90 : i32
      %dma_wait3A_92 = arith.constant 0 : i32
      %dma_wait3A_93 = arith.constant 0 : i32
      %dma_wait3A_94 = tpu.memref_slice %arg9[%scan3A_27, %dma_wait3A_92, %dma_wait3A_93] : memref<2x128x128xf32, #tpu.memory_space<vmem>> -> memref<1x128x128xf32, #tpu.memory_space<vmem>>
      %dma_wait3A_95 = tpu.memref_squeeze %dma_wait3A_94 : memref<1x128x128xf32, #tpu.memory_space<vmem>> -> memref<128x128xf32, #tpu.memory_space<vmem>>
      %dma_wait3A_96 = arith.constant 0 : i32
      %dma_wait3A_97 = tpu.memref_slice %arg7[%add3A_91, %dma_wait3A_96] : memref<48x128xi32, #tpu.memory_space<vmem>> -> memref<1x128xi32, #tpu.memory_space<vmem>>
      %dma_wait3A_98 = tpu.memref_squeeze %dma_wait3A_97 : memref<1x128xi32, #tpu.memory_space<vmem>> -> memref<128xi32, #tpu.memory_space<vmem>>
      %dma_wait3A_99 = arith.constant 0 : i32
      %dma_wait3A_100 = arith.constant 0 : i32
      %dma_wait3A_101 = tpu.memref_slice %arg2[%dma_wait3A_99, %dma_wait3A_100] : memref<10112x128xf32, #tpu.memory_space<hbm>> -> memref<10112x128xf32, #tpu.memory_space<hbm>>
      tpu.wait_indirect_dma semaphore(%arg12 : memref<!tpu.dma_semaphore, #tpu.memory_space<semaphore_mem>>) src(%dma_wait3A_101 : memref<10112x128xf32, #tpu.memory_space<hbm>>) dst(%dma_wait3A_95 : memref<128x128xf32, #tpu.memory_space<vmem>>)
      %add3A_102 = arith.constant 1 : i32
      %add3A_103 = arith.addi %mul3A_70, %add3A_102 : i32
      %dma_start3A_104 = arith.constant 0 : i32
      %dma_start3A_105 = arith.constant 0 : i32
      %dma_start3A_106 = tpu.memref_slice %arg9[%scan3A_27, %dma_start3A_104, %dma_start3A_105] : memref<2x128x128xf32, #tpu.memory_space<vmem>> -> memref<1x128x128xf32, #tpu.memory_space<vmem>>
      %dma_start3A_107 = tpu.memref_squeeze %dma_start3A_106 : memref<1x128x128xf32, #tpu.memory_space<vmem>> -> memref<128x128xf32, #tpu.memory_space<vmem>>
      %dma_start3A_108 = arith.constant 0 : i32
      %dma_start3A_109 = tpu.memref_slice %arg8[%add3A_103, %dma_start3A_108] : memref<48x128xi32, #tpu.memory_space<vmem>> -> memref<1x128xi32, #tpu.memory_space<vmem>>
      %dma_start3A_110 = tpu.memref_squeeze %dma_start3A_109 : memref<1x128xi32, #tpu.memory_space<vmem>> -> memref<128xi32, #tpu.memory_space<vmem>>
      %dma_start3A_111 = arith.constant 0 : i32
      %dma_start3A_112 = arith.constant 0 : i32
      %dma_start3A_113 = tpu.memref_slice %arg10[%dma_start3A_111, %dma_start3A_112] : memref<10112x128xf32, #tpu.memory_space<vmem_shared>> -> memref<10112x128xf32, #tpu.memory_space<vmem_shared>>
      tpu.enqueue_indirect_dma source(%dma_start3A_107 : memref<128x128xf32, #tpu.memory_space<vmem>>) target(%dma_start3A_113 : memref<10112x128xf32, #tpu.memory_space<vmem_shared>>) offsets(%dma_start3A_110 : memref<128xi32, #tpu.memory_space<vmem>>) semaphore(%arg14 : memref<!tpu.dma_semaphore, #tpu.memory_space<semaphore_mem>>) {add = true}
      %dma_wait3A_114 = arith.constant 0 : i32
      %dma_wait3A_115 = arith.constant 0 : i32
      %dma_wait3A_116 = tpu.memref_slice %arg9[%scan3A_26, %dma_wait3A_114, %dma_wait3A_115] : memref<2x128x128xf32, #tpu.memory_space<vmem>> -> memref<1x128x128xf32, #tpu.memory_space<vmem>>
      %dma_wait3A_117 = tpu.memref_squeeze %dma_wait3A_116 : memref<1x128x128xf32, #tpu.memory_space<vmem>> -> memref<128x128xf32, #tpu.memory_space<vmem>>
      %dma_wait3A_118 = arith.constant 0 : i32
      %dma_wait3A_119 = tpu.memref_slice %arg8[%mul3A_70, %dma_wait3A_118] : memref<48x128xi32, #tpu.memory_space<vmem>> -> memref<1x128xi32, #tpu.memory_space<vmem>>
      %dma_wait3A_120 = tpu.memref_squeeze %dma_wait3A_119 : memref<1x128xi32, #tpu.memory_space<vmem>> -> memref<128xi32, #tpu.memory_space<vmem>>
      %dma_wait3A_121 = arith.constant 0 : i32
      %dma_wait3A_122 = arith.constant 0 : i32
      %dma_wait3A_123 = tpu.memref_slice %arg10[%dma_wait3A_121, %dma_wait3A_122] : memref<10112x128xf32, #tpu.memory_space<vmem_shared>> -> memref<10112x128xf32, #tpu.memory_space<vmem_shared>>
      tpu.wait_indirect_dma semaphore(%arg13 : memref<!tpu.dma_semaphore, #tpu.memory_space<semaphore_mem>>) src(%dma_wait3A_117 : memref<128x128xf32, #tpu.memory_space<vmem>>) dst(%dma_wait3A_123 : memref<10112x128xf32, #tpu.memory_space<vmem_shared>>)
      %lt3A = arith.constant 19 : i32
      %lt3A_124 = arith.cmpi slt, %scan3A_68, %lt3A : i32
      %convert_element_type3A = arith.extui %lt3A_124 : i1 to i32
      %cond3A = arith.constant 0 : i32
      %cond3A_125 = arith.cmpi ne, %convert_element_type3A, %cond3A : i32
      scf.if %cond3A_125 {
        %add3A_143 = arith.constant 2 : i32
        %add3A_144 = arith.addi %mul3A_70, %add3A_143 : i32
        %dma_start3A_145 = arith.constant 0 : i32
        %dma_start3A_146 = arith.constant 0 : i32
        %dma_start3A_147 = tpu.memref_slice %arg9[%scan3A_26, %dma_start3A_145, %dma_start3A_146] : memref<2x128x128xf32, #tpu.memory_space<vmem>> -> memref<1x128x128xf32, #tpu.memory_space<vmem>>
        %dma_start3A_148 = tpu.memref_squeeze %dma_start3A_147 : memref<1x128x128xf32, #tpu.memory_space<vmem>> -> memref<128x128xf32, #tpu.memory_space<vmem>>
        %dma_start3A_149 = arith.constant 0 : i32
        %dma_start3A_150 = tpu.memref_slice %arg7[%add3A_144, %dma_start3A_149] : memref<48x128xi32, #tpu.memory_space<vmem>> -> memref<1x128xi32, #tpu.memory_space<vmem>>
        %dma_start3A_151 = tpu.memref_squeeze %dma_start3A_150 : memref<1x128xi32, #tpu.memory_space<vmem>> -> memref<128xi32, #tpu.memory_space<vmem>>
        %dma_start3A_152 = arith.constant 0 : i32
        %dma_start3A_153 = arith.constant 0 : i32
        %dma_start3A_154 = tpu.memref_slice %arg2[%dma_start3A_152, %dma_start3A_153] : memref<10112x128xf32, #tpu.memory_space<hbm>> -> memref<10112x128xf32, #tpu.memory_space<hbm>>
        tpu.enqueue_indirect_dma source(%dma_start3A_154 : memref<10112x128xf32, #tpu.memory_space<hbm>>) target(%dma_start3A_148 : memref<128x128xf32, #tpu.memory_space<vmem>>) offsets(%dma_start3A_151 : memref<128xi32, #tpu.memory_space<vmem>>) semaphore(%arg11 : memref<!tpu.dma_semaphore, #tpu.memory_space<semaphore_mem>>)
      } else {
      }
      %add3A_126 = arith.constant 1 : i32
      %add3A_127 = arith.addi %mul3A_70, %add3A_126 : i32
      %dma_wait3A_128 = arith.constant 0 : i32
      %dma_wait3A_129 = arith.constant 0 : i32
      %dma_wait3A_130 = tpu.memref_slice %arg9[%scan3A_27, %dma_wait3A_128, %dma_wait3A_129] : memref<2x128x128xf32, #tpu.memory_space<vmem>> -> memref<1x128x128xf32, #tpu.memory_space<vmem>>
      %dma_wait3A_131 = tpu.memref_squeeze %dma_wait3A_130 : memref<1x128x128xf32, #tpu.memory_space<vmem>> -> memref<128x128xf32, #tpu.memory_space<vmem>>
      %dma_wait3A_132 = arith.constant 0 : i32
      %dma_wait3A_133 = tpu.memref_slice %arg8[%add3A_127, %dma_wait3A_132] : memref<48x128xi32, #tpu.memory_space<vmem>> -> memref<1x128xi32, #tpu.memory_space<vmem>>
      %dma_wait3A_134 = tpu.memref_squeeze %dma_wait3A_133 : memref<1x128xi32, #tpu.memory_space<vmem>> -> memref<128xi32, #tpu.memory_space<vmem>>
      %dma_wait3A_135 = arith.constant 0 : i32
      %dma_wait3A_136 = arith.constant 0 : i32
      %dma_wait3A_137 = tpu.memref_slice %arg10[%dma_wait3A_135, %dma_wait3A_136] : memref<10112x128xf32, #tpu.memory_space<vmem_shared>> -> memref<10112x128xf32, #tpu.memory_space<vmem_shared>>
      tpu.wait_indirect_dma semaphore(%arg14 : memref<!tpu.dma_semaphore, #tpu.memory_space<semaphore_mem>>) src(%dma_wait3A_131 : memref<128x128xf32, #tpu.memory_space<vmem>>) dst(%dma_wait3A_137 : memref<10112x128xf32, #tpu.memory_space<vmem_shared>>)
      %lt3A_138 = arith.constant 19 : i32
      %lt3A_139 = arith.cmpi slt, %scan3A_68, %lt3A_138 : i32
      %convert_element_type3A_140 = arith.extui %lt3A_139 : i1 to i32
      %cond3A_141 = arith.constant 0 : i32
      %cond3A_142 = arith.cmpi ne, %convert_element_type3A_140, %cond3A_141 : i32
      scf.if %cond3A_142 {
        %add3A_143 = arith.constant 3 : i32
        %add3A_144 = arith.addi %mul3A_70, %add3A_143 : i32
        %dma_start3A_145 = arith.constant 0 : i32
        %dma_start3A_146 = arith.constant 0 : i32
        %dma_start3A_147 = tpu.memref_slice %arg9[%scan3A_27, %dma_start3A_145, %dma_start3A_146] : memref<2x128x128xf32, #tpu.memory_space<vmem>> -> memref<1x128x128xf32, #tpu.memory_space<vmem>>
        %dma_start3A_148 = tpu.memref_squeeze %dma_start3A_147 : memref<1x128x128xf32, #tpu.memory_space<vmem>> -> memref<128x128xf32, #tpu.memory_space<vmem>>
        %dma_start3A_149 = arith.constant 0 : i32
        %dma_start3A_150 = tpu.memref_slice %arg7[%add3A_144, %dma_start3A_149] : memref<48x128xi32, #tpu.memory_space<vmem>> -> memref<1x128xi32, #tpu.memory_space<vmem>>
        %dma_start3A_151 = tpu.memref_squeeze %dma_start3A_150 : memref<1x128xi32, #tpu.memory_space<vmem>> -> memref<128xi32, #tpu.memory_space<vmem>>
        %dma_start3A_152 = arith.constant 0 : i32
        %dma_start3A_153 = arith.constant 0 : i32
        %dma_start3A_154 = tpu.memref_slice %arg2[%dma_start3A_152, %dma_start3A_153] : memref<10112x128xf32, #tpu.memory_space<hbm>> -> memref<10112x128xf32, #tpu.memory_space<hbm>>
        tpu.enqueue_indirect_dma source(%dma_start3A_154 : memref<10112x128xf32, #tpu.memory_space<hbm>>) target(%dma_start3A_148 : memref<128x128xf32, #tpu.memory_space<vmem>>) offsets(%dma_start3A_151 : memref<128xi32, #tpu.memory_space<vmem>>) semaphore(%arg12 : memref<!tpu.dma_semaphore, #tpu.memory_space<semaphore_mem>>)
      } else {
      }
    }
    %scan3A_32 = arith.constant 20 : i32
    "tpu.region"() ({
      %run_scoped3A = tpu.sem_alloc : memref<!tpu.dma_semaphore, #tpu.memory_space<semaphore_mem>>
      %dma_start3A_68 = arith.constant 0 : i32
      %dma_start3A_69 = arith.constant 0 : i32
      %dma_start3A_70 = tpu.memref_slice %arg7[%dma_start3A_68, %dma_start3A_69] : memref<48x128xi32, #tpu.memory_space<vmem>> -> memref<40x128xi32, #tpu.memory_space<vmem>>
      %dma_start3A_71 = arith.constant 40 : i32
      %dma_start3A_72 = arith.constant 0 : i32
      %dma_start3A_73 = tpu.memref_slice %arg3[%add3A, %dma_start3A_71, %dma_start3A_72] : memref<32x80x128xi32, #tpu.memory_space<hbm>> -> memref<1x40x128xi32, #tpu.memory_space<hbm>>
      %dma_start3A_74 = tpu.memref_squeeze %dma_start3A_73 : memref<1x40x128xi32, #tpu.memory_space<hbm>> -> memref<40x128xi32, #tpu.memory_space<hbm>>
      %dma_start3A_75 = arith.constant 0 : i32
      %dma_start3A_76 = arith.constant 0 : i32
      %dma_start3A_77 = tpu.memref_slice %arg7[%dma_start3A_75, %dma_start3A_76] : memref<48x128xi32, #tpu.memory_space<vmem>> -> memref<40x128xi32, #tpu.memory_space<vmem>>
      %dma_start3A_78 = arith.constant 40 : i32
      %dma_start3A_79 = arith.constant 0 : i32
      %dma_start3A_80 = tpu.memref_slice %arg3[%add3A, %dma_start3A_78, %dma_start3A_79] : memref<32x80x128xi32, #tpu.memory_space<hbm>> -> memref<1x40x128xi32, #tpu.memory_space<hbm>>
      %dma_start3A_81 = tpu.memref_squeeze %dma_start3A_80 : memref<1x40x128xi32, #tpu.memory_space<hbm>> -> memref<40x128xi32, #tpu.memory_space<hbm>>
      tpu.enqueue_dma source(%dma_start3A_81 : memref<40x128xi32, #tpu.memory_space<hbm>>) target(%dma_start3A_77 : memref<40x128xi32, #tpu.memory_space<vmem>>) target_semaphore(%run_scoped3A : memref<!tpu.dma_semaphore, #tpu.memory_space<semaphore_mem>>)
      %dma_wait3A = arith.constant 0 : i32
      %dma_wait3A_82 = arith.constant 0 : i32
      %dma_wait3A_83 = tpu.memref_slice %arg7[%dma_wait3A, %dma_wait3A_82] : memref<48x128xi32, #tpu.memory_space<vmem>> -> memref<40x128xi32, #tpu.memory_space<vmem>>
      %dma_wait3A_84 = arith.constant 40 : i32
      %dma_wait3A_85 = arith.constant 0 : i32
      %dma_wait3A_86 = tpu.memref_slice %arg3[%add3A, %dma_wait3A_84, %dma_wait3A_85] : memref<32x80x128xi32, #tpu.memory_space<hbm>> -> memref<1x40x128xi32, #tpu.memory_space<hbm>>
      %dma_wait3A_87 = tpu.memref_squeeze %dma_wait3A_86 : memref<1x40x128xi32, #tpu.memory_space<hbm>> -> memref<40x128xi32, #tpu.memory_space<hbm>>
      %dma_wait3A_88 = arith.constant 0 : i32
      %dma_wait3A_89 = arith.constant 0 : i32
      %dma_wait3A_90 = tpu.memref_slice %arg7[%dma_wait3A_88, %dma_wait3A_89] : memref<48x128xi32, #tpu.memory_space<vmem>> -> memref<40x128xi32, #tpu.memory_space<vmem>>
      %dma_wait3A_91 = arith.constant 40 : i32
      %dma_wait3A_92 = arith.constant 0 : i32
      %dma_wait3A_93 = tpu.memref_slice %arg3[%add3A, %dma_wait3A_91, %dma_wait3A_92] : memref<32x80x128xi32, #tpu.memory_space<hbm>> -> memref<1x40x128xi32, #tpu.memory_space<hbm>>
      %dma_wait3A_94 = tpu.memref_squeeze %dma_wait3A_93 : memref<1x40x128xi32, #tpu.memory_space<hbm>> -> memref<40x128xi32, #tpu.memory_space<hbm>>
      tpu.wait_dma2 semaphore(%run_scoped3A : memref<!tpu.dma_semaphore, #tpu.memory_space<semaphore_mem>>) src(%dma_wait3A_94 : memref<40x128xi32, #tpu.memory_space<hbm>>) dst(%dma_wait3A_90 : memref<40x128xi32, #tpu.memory_space<vmem>>)
      tpu.yield
    }) : () -> ()
    "tpu.region"() ({
      %run_scoped3A = tpu.sem_alloc : memref<!tpu.dma_semaphore, #tpu.memory_space<semaphore_mem>>
      %dma_start3A_68 = arith.constant 0 : i32
      %dma_start3A_69 = arith.constant 0 : i32
      %dma_start3A_70 = tpu.memref_slice %arg8[%dma_start3A_68, %dma_start3A_69] : memref<48x128xi32, #tpu.memory_space<vmem>> -> memref<40x128xi32, #tpu.memory_space<vmem>>
      %dma_start3A_71 = arith.constant 40 : i32
      %dma_start3A_72 = arith.constant 0 : i32
      %dma_start3A_73 = tpu.memref_slice %arg4[%add3A, %dma_start3A_71, %dma_start3A_72] : memref<32x80x128xi32, #tpu.memory_space<hbm>> -> memref<1x40x128xi32, #tpu.memory_space<hbm>>
      %dma_start3A_74 = tpu.memref_squeeze %dma_start3A_73 : memref<1x40x128xi32, #tpu.memory_space<hbm>> -> memref<40x128xi32, #tpu.memory_space<hbm>>
      %dma_start3A_75 = arith.constant 0 : i32
      %dma_start3A_76 = arith.constant 0 : i32
      %dma_start3A_77 = tpu.memref_slice %arg8[%dma_start3A_75, %dma_start3A_76] : memref<48x128xi32, #tpu.memory_space<vmem>> -> memref<40x128xi32, #tpu.memory_space<vmem>>
      %dma_start3A_78 = arith.constant 40 : i32
      %dma_start3A_79 = arith.constant 0 : i32
      %dma_start3A_80 = tpu.memref_slice %arg4[%add3A, %dma_start3A_78, %dma_start3A_79] : memref<32x80x128xi32, #tpu.memory_space<hbm>> -> memref<1x40x128xi32, #tpu.memory_space<hbm>>
      %dma_start3A_81 = tpu.memref_squeeze %dma_start3A_80 : memref<1x40x128xi32, #tpu.memory_space<hbm>> -> memref<40x128xi32, #tpu.memory_space<hbm>>
      tpu.enqueue_dma source(%dma_start3A_81 : memref<40x128xi32, #tpu.memory_space<hbm>>) target(%dma_start3A_77 : memref<40x128xi32, #tpu.memory_space<vmem>>) target_semaphore(%run_scoped3A : memref<!tpu.dma_semaphore, #tpu.memory_space<semaphore_mem>>)
      %dma_wait3A = arith.constant 0 : i32
      %dma_wait3A_82 = arith.constant 0 : i32
      %dma_wait3A_83 = tpu.memref_slice %arg8[%dma_wait3A, %dma_wait3A_82] : memref<48x128xi32, #tpu.memory_space<vmem>> -> memref<40x128xi32, #tpu.memory_space<vmem>>
      %dma_wait3A_84 = arith.constant 40 : i32
      %dma_wait3A_85 = arith.constant 0 : i32
      %dma_wait3A_86 = tpu.memref_slice %arg4[%add3A, %dma_wait3A_84, %dma_wait3A_85] : memref<32x80x128xi32, #tpu.memory_space<hbm>> -> memref<1x40x128xi32, #tpu.memory_space<hbm>>
      %dma_wait3A_87 = tpu.memref_squeeze %dma_wait3A_86 : memref<1x40x128xi32, #tpu.memory_space<hbm>> -> memref<40x128xi32, #tpu.memory_space<hbm>>
      %dma_wait3A_88 = arith.constant 0 : i32
      %dma_wait3A_89 = arith.constant 0 : i32
      %dma_wait3A_90 = tpu.memref_slice %arg8[%dma_wait3A_88, %dma_wait3A_89] : memref<48x128xi32, #tpu.memory_space<vmem>> -> memref<40x128xi32, #tpu.memory_space<vmem>>
      %dma_wait3A_91 = arith.constant 40 : i32
      %dma_wait3A_92 = arith.constant 0 : i32
      %dma_wait3A_93 = tpu.memref_slice %arg4[%add3A, %dma_wait3A_91, %dma_wait3A_92] : memref<32x80x128xi32, #tpu.memory_space<hbm>> -> memref<1x40x128xi32, #tpu.memory_space<hbm>>
      %dma_wait3A_94 = tpu.memref_squeeze %dma_wait3A_93 : memref<1x40x128xi32, #tpu.memory_space<hbm>> -> memref<40x128xi32, #tpu.memory_space<hbm>>
      tpu.wait_dma2 semaphore(%run_scoped3A : memref<!tpu.dma_semaphore, #tpu.memory_space<semaphore_mem>>) src(%dma_wait3A_94 : memref<40x128xi32, #tpu.memory_space<hbm>>) dst(%dma_wait3A_90 : memref<40x128xi32, #tpu.memory_space<vmem>>)
      tpu.yield
    }) : () -> ()
    %dma_start3A_33 = arith.constant 0 : i32
    %dma_start3A_34 = arith.constant 0 : i32
    %dma_start3A_35 = arith.constant 0 : i32
    %dma_start3A_36 = arith.constant 0 : i32
    %dma_start3A_37 = tpu.memref_slice %arg9[%dma_start3A_34, %dma_start3A_35, %dma_start3A_36] : memref<2x128x128xf32, #tpu.memory_space<vmem>> -> memref<1x128x128xf32, #tpu.memory_space<vmem>>
    %dma_start3A_38 = tpu.memref_squeeze %dma_start3A_37 : memref<1x128x128xf32, #tpu.memory_space<vmem>> -> memref<128x128xf32, #tpu.memory_space<vmem>>
    %dma_start3A_39 = arith.constant 0 : i32
    %dma_start3A_40 = tpu.memref_slice %arg7[%dma_start3A_33, %dma_start3A_39] : memref<48x128xi32, #tpu.memory_space<vmem>> -> memref<1x128xi32, #tpu.memory_space<vmem>>
    %dma_start3A_41 = tpu.memref_squeeze %dma_start3A_40 : memref<1x128xi32, #tpu.memory_space<vmem>> -> memref<128xi32, #tpu.memory_space<vmem>>
    %dma_start3A_42 = arith.constant 0 : i32
    %dma_start3A_43 = arith.constant 0 : i32
    %dma_start3A_44 = tpu.memref_slice %arg2[%dma_start3A_42, %dma_start3A_43] : memref<10112x128xf32, #tpu.memory_space<hbm>> -> memref<10112x128xf32, #tpu.memory_space<hbm>>
    tpu.enqueue_indirect_dma source(%dma_start3A_44 : memref<10112x128xf32, #tpu.memory_space<hbm>>) target(%dma_start3A_38 : memref<128x128xf32, #tpu.memory_space<vmem>>) offsets(%dma_start3A_41 : memref<128xi32, #tpu.memory_space<vmem>>) semaphore(%arg11 : memref<!tpu.dma_semaphore, #tpu.memory_space<semaphore_mem>>)
    %dma_start3A_45 = arith.constant 1 : i32
    %dma_start3A_46 = arith.constant 1 : i32
    %dma_start3A_47 = arith.constant 0 : i32
    %dma_start3A_48 = arith.constant 0 : i32
    %dma_start3A_49 = tpu.memref_slice %arg9[%dma_start3A_46, %dma_start3A_47, %dma_start3A_48] : memref<2x128x128xf32, #tpu.memory_space<vmem>> -> memref<1x128x128xf32, #tpu.memory_space<vmem>>
    %dma_start3A_50 = tpu.memref_squeeze %dma_start3A_49 : memref<1x128x128xf32, #tpu.memory_space<vmem>> -> memref<128x128xf32, #tpu.memory_space<vmem>>
    %dma_start3A_51 = arith.constant 0 : i32
    %dma_start3A_52 = tpu.memref_slice %arg7[%dma_start3A_45, %dma_start3A_51] : memref<48x128xi32, #tpu.memory_space<vmem>> -> memref<1x128xi32, #tpu.memory_space<vmem>>
    %dma_start3A_53 = tpu.memref_squeeze %dma_start3A_52 : memref<1x128xi32, #tpu.memory_space<vmem>> -> memref<128xi32, #tpu.memory_space<vmem>>
    %dma_start3A_54 = arith.constant 0 : i32
    %dma_start3A_55 = arith.constant 0 : i32
    %dma_start3A_56 = tpu.memref_slice %arg2[%dma_start3A_54, %dma_start3A_55] : memref<10112x128xf32, #tpu.memory_space<hbm>> -> memref<10112x128xf32, #tpu.memory_space<hbm>>
    tpu.enqueue_indirect_dma source(%dma_start3A_56 : memref<10112x128xf32, #tpu.memory_space<hbm>>) target(%dma_start3A_50 : memref<128x128xf32, #tpu.memory_space<vmem>>) offsets(%dma_start3A_53 : memref<128xi32, #tpu.memory_space<vmem>>) semaphore(%arg12 : memref<!tpu.dma_semaphore, #tpu.memory_space<semaphore_mem>>)
    %scan3A_57 = arith.constant 0 : i32
    %scan3A_58 = arith.constant 0 : i32
    %scan3A_59 = arith.constant 1 : i32
    %scan3A_60 = arith.constant 0 : i32
    %scan3A_61 = arith.constant 20 : i32
    %scan3A_62 = arith.addi %scan3A_60, %scan3A_61 : i32
    %scan3A_63 = arith.constant 1 : i32
    scf.for %scan3A_68 = %scan3A_60 to %scan3A_62 step %scan3A_63  : i32 {
      %mul3A_69 = arith.constant 2 : i32
      %mul3A_70 = arith.muli %mul3A_69, %scan3A_68 : i32
      %dma_wait3A = arith.constant 0 : i32
      %dma_wait3A_71 = arith.constant 0 : i32
      %dma_wait3A_72 = tpu.memref_slice %arg9[%scan3A_58, %dma_wait3A, %dma_wait3A_71] : memref<2x128x128xf32, #tpu.memory_space<vmem>> -> memref<1x128x128xf32, #tpu.memory_space<vmem>>
      %dma_wait3A_73 = tpu.memref_squeeze %dma_wait3A_72 : memref<1x128x128xf32, #tpu.memory_space<vmem>> -> memref<128x128xf32, #tpu.memory_space<vmem>>
      %dma_wait3A_74 = arith.constant 0 : i32
      %dma_wait3A_75 = tpu.memref_slice %arg7[%mul3A_70, %dma_wait3A_74] : memref<48x128xi32, #tpu.memory_space<vmem>> -> memref<1x128xi32, #tpu.memory_space<vmem>>
      %dma_wait3A_76 = tpu.memref_squeeze %dma_wait3A_75 : memref<1x128xi32, #tpu.memory_space<vmem>> -> memref<128xi32, #tpu.memory_space<vmem>>
      %dma_wait3A_77 = arith.constant 0 : i32
      %dma_wait3A_78 = arith.constant 0 : i32
      %dma_wait3A_79 = tpu.memref_slice %arg2[%dma_wait3A_77, %dma_wait3A_78] : memref<10112x128xf32, #tpu.memory_space<hbm>> -> memref<10112x128xf32, #tpu.memory_space<hbm>>
      tpu.wait_indirect_dma semaphore(%arg11 : memref<!tpu.dma_semaphore, #tpu.memory_space<semaphore_mem>>) src(%dma_wait3A_79 : memref<10112x128xf32, #tpu.memory_space<hbm>>) dst(%dma_wait3A_73 : memref<128x128xf32, #tpu.memory_space<vmem>>)
      %dma_start3A_80 = arith.constant 0 : i32
      %dma_start3A_81 = arith.constant 0 : i32
      %dma_start3A_82 = tpu.memref_slice %arg9[%scan3A_58, %dma_start3A_80, %dma_start3A_81] : memref<2x128x128xf32, #tpu.memory_space<vmem>> -> memref<1x128x128xf32, #tpu.memory_space<vmem>>
      %dma_start3A_83 = tpu.memref_squeeze %dma_start3A_82 : memref<1x128x128xf32, #tpu.memory_space<vmem>> -> memref<128x128xf32, #tpu.memory_space<vmem>>
      %dma_start3A_84 = arith.constant 0 : i32
      %dma_start3A_85 = tpu.memref_slice %arg8[%mul3A_70, %dma_start3A_84] : memref<48x128xi32, #tpu.memory_space<vmem>> -> memref<1x128xi32, #tpu.memory_space<vmem>>
      %dma_start3A_86 = tpu.memref_squeeze %dma_start3A_85 : memref<1x128xi32, #tpu.memory_space<vmem>> -> memref<128xi32, #tpu.memory_space<vmem>>
      %dma_start3A_87 = arith.constant 0 : i32
      %dma_start3A_88 = arith.constant 0 : i32
      %dma_start3A_89 = tpu.memref_slice %arg10[%dma_start3A_87, %dma_start3A_88] : memref<10112x128xf32, #tpu.memory_space<vmem_shared>> -> memref<10112x128xf32, #tpu.memory_space<vmem_shared>>
      tpu.enqueue_indirect_dma source(%dma_start3A_83 : memref<128x128xf32, #tpu.memory_space<vmem>>) target(%dma_start3A_89 : memref<10112x128xf32, #tpu.memory_space<vmem_shared>>) offsets(%dma_start3A_86 : memref<128xi32, #tpu.memory_space<vmem>>) semaphore(%arg13 : memref<!tpu.dma_semaphore, #tpu.memory_space<semaphore_mem>>) {add = true}
      %add3A_90 = arith.constant 1 : i32
      %add3A_91 = arith.addi %mul3A_70, %add3A_90 : i32
      %dma_wait3A_92 = arith.constant 0 : i32
      %dma_wait3A_93 = arith.constant 0 : i32
      %dma_wait3A_94 = tpu.memref_slice %arg9[%scan3A_59, %dma_wait3A_92, %dma_wait3A_93] : memref<2x128x128xf32, #tpu.memory_space<vmem>> -> memref<1x128x128xf32, #tpu.memory_space<vmem>>
      %dma_wait3A_95 = tpu.memref_squeeze %dma_wait3A_94 : memref<1x128x128xf32, #tpu.memory_space<vmem>> -> memref<128x128xf32, #tpu.memory_space<vmem>>
      %dma_wait3A_96 = arith.constant 0 : i32
      %dma_wait3A_97 = tpu.memref_slice %arg7[%add3A_91, %dma_wait3A_96] : memref<48x128xi32, #tpu.memory_space<vmem>> -> memref<1x128xi32, #tpu.memory_space<vmem>>
      %dma_wait3A_98 = tpu.memref_squeeze %dma_wait3A_97 : memref<1x128xi32, #tpu.memory_space<vmem>> -> memref<128xi32, #tpu.memory_space<vmem>>
      %dma_wait3A_99 = arith.constant 0 : i32
      %dma_wait3A_100 = arith.constant 0 : i32
      %dma_wait3A_101 = tpu.memref_slice %arg2[%dma_wait3A_99, %dma_wait3A_100] : memref<10112x128xf32, #tpu.memory_space<hbm>> -> memref<10112x128xf32, #tpu.memory_space<hbm>>
      tpu.wait_indirect_dma semaphore(%arg12 : memref<!tpu.dma_semaphore, #tpu.memory_space<semaphore_mem>>) src(%dma_wait3A_101 : memref<10112x128xf32, #tpu.memory_space<hbm>>) dst(%dma_wait3A_95 : memref<128x128xf32, #tpu.memory_space<vmem>>)
      %add3A_102 = arith.constant 1 : i32
      %add3A_103 = arith.addi %mul3A_70, %add3A_102 : i32
      %dma_start3A_104 = arith.constant 0 : i32
      %dma_start3A_105 = arith.constant 0 : i32
      %dma_start3A_106 = tpu.memref_slice %arg9[%scan3A_59, %dma_start3A_104, %dma_start3A_105] : memref<2x128x128xf32, #tpu.memory_space<vmem>> -> memref<1x128x128xf32, #tpu.memory_space<vmem>>
      %dma_start3A_107 = tpu.memref_squeeze %dma_start3A_106 : memref<1x128x128xf32, #tpu.memory_space<vmem>> -> memref<128x128xf32, #tpu.memory_space<vmem>>
      %dma_start3A_108 = arith.constant 0 : i32
      %dma_start3A_109 = tpu.memref_slice %arg8[%add3A_103, %dma_start3A_108] : memref<48x128xi32, #tpu.memory_space<vmem>> -> memref<1x128xi32, #tpu.memory_space<vmem>>
      %dma_start3A_110 = tpu.memref_squeeze %dma_start3A_109 : memref<1x128xi32, #tpu.memory_space<vmem>> -> memref<128xi32, #tpu.memory_space<vmem>>
      %dma_start3A_111 = arith.constant 0 : i32
      %dma_start3A_112 = arith.constant 0 : i32
      %dma_start3A_113 = tpu.memref_slice %arg10[%dma_start3A_111, %dma_start3A_112] : memref<10112x128xf32, #tpu.memory_space<vmem_shared>> -> memref<10112x128xf32, #tpu.memory_space<vmem_shared>>
      tpu.enqueue_indirect_dma source(%dma_start3A_107 : memref<128x128xf32, #tpu.memory_space<vmem>>) target(%dma_start3A_113 : memref<10112x128xf32, #tpu.memory_space<vmem_shared>>) offsets(%dma_start3A_110 : memref<128xi32, #tpu.memory_space<vmem>>) semaphore(%arg14 : memref<!tpu.dma_semaphore, #tpu.memory_space<semaphore_mem>>) {add = true}
      %dma_wait3A_114 = arith.constant 0 : i32
      %dma_wait3A_115 = arith.constant 0 : i32
      %dma_wait3A_116 = tpu.memref_slice %arg9[%scan3A_58, %dma_wait3A_114, %dma_wait3A_115] : memref<2x128x128xf32, #tpu.memory_space<vmem>> -> memref<1x128x128xf32, #tpu.memory_space<vmem>>
      %dma_wait3A_117 = tpu.memref_squeeze %dma_wait3A_116 : memref<1x128x128xf32, #tpu.memory_space<vmem>> -> memref<128x128xf32, #tpu.memory_space<vmem>>
      %dma_wait3A_118 = arith.constant 0 : i32
      %dma_wait3A_119 = tpu.memref_slice %arg8[%mul3A_70, %dma_wait3A_118] : memref<48x128xi32, #tpu.memory_space<vmem>> -> memref<1x128xi32, #tpu.memory_space<vmem>>
      %dma_wait3A_120 = tpu.memref_squeeze %dma_wait3A_119 : memref<1x128xi32, #tpu.memory_space<vmem>> -> memref<128xi32, #tpu.memory_space<vmem>>
      %dma_wait3A_121 = arith.constant 0 : i32
      %dma_wait3A_122 = arith.constant 0 : i32
      %dma_wait3A_123 = tpu.memref_slice %arg10[%dma_wait3A_121, %dma_wait3A_122] : memref<10112x128xf32, #tpu.memory_space<vmem_shared>> -> memref<10112x128xf32, #tpu.memory_space<vmem_shared>>
      tpu.wait_indirect_dma semaphore(%arg13 : memref<!tpu.dma_semaphore, #tpu.memory_space<semaphore_mem>>) src(%dma_wait3A_117 : memref<128x128xf32, #tpu.memory_space<vmem>>) dst(%dma_wait3A_123 : memref<10112x128xf32, #tpu.memory_space<vmem_shared>>)
      %lt3A = arith.constant 19 : i32
      %lt3A_124 = arith.cmpi slt, %scan3A_68, %lt3A : i32
      %convert_element_type3A = arith.extui %lt3A_124 : i1 to i32
      %cond3A = arith.constant 0 : i32
      %cond3A_125 = arith.cmpi ne, %convert_element_type3A, %cond3A : i32
      scf.if %cond3A_125 {
        %add3A_143 = arith.constant 2 : i32
        %add3A_144 = arith.addi %mul3A_70, %add3A_143 : i32
        %dma_start3A_145 = arith.constant 0 : i32
        %dma_start3A_146 = arith.constant 0 : i32
        %dma_start3A_147 = tpu.memref_slice %arg9[%scan3A_58, %dma_start3A_145, %dma_start3A_146] : memref<2x128x128xf32, #tpu.memory_space<vmem>> -> memref<1x128x128xf32, #tpu.memory_space<vmem>>
        %dma_start3A_148 = tpu.memref_squeeze %dma_start3A_147 : memref<1x128x128xf32, #tpu.memory_space<vmem>> -> memref<128x128xf32, #tpu.memory_space<vmem>>
        %dma_start3A_149 = arith.constant 0 : i32
        %dma_start3A_150 = tpu.memref_slice %arg7[%add3A_144, %dma_start3A_149] : memref<48x128xi32, #tpu.memory_space<vmem>> -> memref<1x128xi32, #tpu.memory_space<vmem>>
        %dma_start3A_151 = tpu.memref_squeeze %dma_start3A_150 : memref<1x128xi32, #tpu.memory_space<vmem>> -> memref<128xi32, #tpu.memory_space<vmem>>
        %dma_start3A_152 = arith.constant 0 : i32
        %dma_start3A_153 = arith.constant 0 : i32
        %dma_start3A_154 = tpu.memref_slice %arg2[%dma_start3A_152, %dma_start3A_153] : memref<10112x128xf32, #tpu.memory_space<hbm>> -> memref<10112x128xf32, #tpu.memory_space<hbm>>
        tpu.enqueue_indirect_dma source(%dma_start3A_154 : memref<10112x128xf32, #tpu.memory_space<hbm>>) target(%dma_start3A_148 : memref<128x128xf32, #tpu.memory_space<vmem>>) offsets(%dma_start3A_151 : memref<128xi32, #tpu.memory_space<vmem>>) semaphore(%arg11 : memref<!tpu.dma_semaphore, #tpu.memory_space<semaphore_mem>>)
      } else {
      }
      %add3A_126 = arith.constant 1 : i32
      %add3A_127 = arith.addi %mul3A_70, %add3A_126 : i32
      %dma_wait3A_128 = arith.constant 0 : i32
      %dma_wait3A_129 = arith.constant 0 : i32
      %dma_wait3A_130 = tpu.memref_slice %arg9[%scan3A_59, %dma_wait3A_128, %dma_wait3A_129] : memref<2x128x128xf32, #tpu.memory_space<vmem>> -> memref<1x128x128xf32, #tpu.memory_space<vmem>>
      %dma_wait3A_131 = tpu.memref_squeeze %dma_wait3A_130 : memref<1x128x128xf32, #tpu.memory_space<vmem>> -> memref<128x128xf32, #tpu.memory_space<vmem>>
      %dma_wait3A_132 = arith.constant 0 : i32
      %dma_wait3A_133 = tpu.memref_slice %arg8[%add3A_127, %dma_wait3A_132] : memref<48x128xi32, #tpu.memory_space<vmem>> -> memref<1x128xi32, #tpu.memory_space<vmem>>
      %dma_wait3A_134 = tpu.memref_squeeze %dma_wait3A_133 : memref<1x128xi32, #tpu.memory_space<vmem>> -> memref<128xi32, #tpu.memory_space<vmem>>
      %dma_wait3A_135 = arith.constant 0 : i32
      %dma_wait3A_136 = arith.constant 0 : i32
      %dma_wait3A_137 = tpu.memref_slice %arg10[%dma_wait3A_135, %dma_wait3A_136] : memref<10112x128xf32, #tpu.memory_space<vmem_shared>> -> memref<10112x128xf32, #tpu.memory_space<vmem_shared>>
      tpu.wait_indirect_dma semaphore(%arg14 : memref<!tpu.dma_semaphore, #tpu.memory_space<semaphore_mem>>) src(%dma_wait3A_131 : memref<128x128xf32, #tpu.memory_space<vmem>>) dst(%dma_wait3A_137 : memref<10112x128xf32, #tpu.memory_space<vmem_shared>>)
      %lt3A_138 = arith.constant 19 : i32
      %lt3A_139 = arith.cmpi slt, %scan3A_68, %lt3A_138 : i32
      %convert_element_type3A_140 = arith.extui %lt3A_139 : i1 to i32
      %cond3A_141 = arith.constant 0 : i32
      %cond3A_142 = arith.cmpi ne, %convert_element_type3A_140, %cond3A_141 : i32
      scf.if %cond3A_142 {
        %add3A_143 = arith.constant 3 : i32
        %add3A_144 = arith.addi %mul3A_70, %add3A_143 : i32
        %dma_start3A_145 = arith.constant 0 : i32
        %dma_start3A_146 = arith.constant 0 : i32
        %dma_start3A_147 = tpu.memref_slice %arg9[%scan3A_59, %dma_start3A_145, %dma_start3A_146] : memref<2x128x128xf32, #tpu.memory_space<vmem>> -> memref<1x128x128xf32, #tpu.memory_space<vmem>>
        %dma_start3A_148 = tpu.memref_squeeze %dma_start3A_147 : memref<1x128x128xf32, #tpu.memory_space<vmem>> -> memref<128x128xf32, #tpu.memory_space<vmem>>
        %dma_start3A_149 = arith.constant 0 : i32
        %dma_start3A_150 = tpu.memref_slice %arg7[%add3A_144, %dma_start3A_149] : memref<48x128xi32, #tpu.memory_space<vmem>> -> memref<1x128xi32, #tpu.memory_space<vmem>>
        %dma_start3A_151 = tpu.memref_squeeze %dma_start3A_150 : memref<1x128xi32, #tpu.memory_space<vmem>> -> memref<128xi32, #tpu.memory_space<vmem>>
        %dma_start3A_152 = arith.constant 0 : i32
        %dma_start3A_153 = arith.constant 0 : i32
        %dma_start3A_154 = tpu.memref_slice %arg2[%dma_start3A_152, %dma_start3A_153] : memref<10112x128xf32, #tpu.memory_space<hbm>> -> memref<10112x128xf32, #tpu.memory_space<hbm>>
        tpu.enqueue_indirect_dma source(%dma_start3A_154 : memref<10112x128xf32, #tpu.memory_space<hbm>>) target(%dma_start3A_148 : memref<128x128xf32, #tpu.memory_space<vmem>>) offsets(%dma_start3A_151 : memref<128xi32, #tpu.memory_space<vmem>>) semaphore(%arg12 : memref<!tpu.dma_semaphore, #tpu.memory_space<semaphore_mem>>)
      } else {
      }
    }
    %scan3A_64 = arith.constant 20 : i32
    %barrier3A_65 = arith.constant 0 : index
    tpu.barrier barrier_id(%barrier3A_65)
    %mul3A_66 = arith.constant 632 : i32
    %mul3A_67 = arith.muli %arg1, %mul3A_66 : i32
    "tpu.region"() ({
      %run_scoped3A = tpu.sem_alloc : memref<!tpu.dma_semaphore, #tpu.memory_space<semaphore_mem>>
      %dma_start3A_68 = arith.constant 0 : i32
      %dma_start3A_69 = tpu.memref_slice %arg6[%arg0, %mul3A_67, %dma_start3A_68] : memref<2x10112x128xf32, #tpu.memory_space<hbm>> -> memref<1x632x128xf32, #tpu.memory_space<hbm>>
      %dma_start3A_70 = tpu.memref_squeeze %dma_start3A_69 : memref<1x632x128xf32, #tpu.memory_space<hbm>> -> memref<632x128xf32, #tpu.memory_space<hbm>>
      %dma_start3A_71 = arith.constant 0 : i32
      %dma_start3A_72 = tpu.memref_slice %arg10[%mul3A_67, %dma_start3A_71] : memref<10112x128xf32, #tpu.memory_space<vmem_shared>> -> memref<632x128xf32, #tpu.memory_space<vmem_shared>>
      tpu.enqueue_dma source(%dma_start3A_72 : memref<632x128xf32, #tpu.memory_space<vmem_shared>>) target(%dma_start3A_70 : memref<632x128xf32, #tpu.memory_space<hbm>>) target_semaphore(%run_scoped3A : memref<!tpu.dma_semaphore, #tpu.memory_space<semaphore_mem>>)
      %dma_wait3A = arith.constant 0 : i32
      %dma_wait3A_73 = tpu.memref_slice %arg6[%arg0, %mul3A_67, %dma_wait3A] : memref<2x10112x128xf32, #tpu.memory_space<hbm>> -> memref<1x632x128xf32, #tpu.memory_space<hbm>>
      %dma_wait3A_74 = tpu.memref_squeeze %dma_wait3A_73 : memref<1x632x128xf32, #tpu.memory_space<hbm>> -> memref<632x128xf32, #tpu.memory_space<hbm>>
      %dma_wait3A_75 = arith.constant 0 : i32
      %dma_wait3A_76 = tpu.memref_slice %arg10[%mul3A_67, %dma_wait3A_75] : memref<10112x128xf32, #tpu.memory_space<vmem_shared>> -> memref<632x128xf32, #tpu.memory_space<vmem_shared>>
      tpu.wait_dma2 semaphore(%run_scoped3A : memref<!tpu.dma_semaphore, #tpu.memory_space<semaphore_mem>>) src(%dma_wait3A_76 : memref<632x128xf32, #tpu.memory_space<vmem_shared>>) dst(%dma_wait3A_74 : memref<632x128xf32, #tpu.memory_space<hbm>>)
      tpu.yield
    }) : () -> ()
    return
  }
}

#map = affine_map<(d0, d1) -> (0, 0)>
#map1 = affine_map<(d0, d1) -> (0, 0, 0)>
module attributes {stable_mosaic.version = 14 : i64} {
  func.func @_sc_agg_body(%arg0: i32, %arg1: i32, %arg2: memref<10112x128xf32, #tpu.memory_space<hbm>>, %arg3: memref<32x80x128xi32, #tpu.memory_space<hbm>>, %arg4: memref<32x80x128xi32, #tpu.memory_space<hbm>>, %arg5: memref<632x128xf32, #tpu.memory_space<hbm>>, %arg6: memref<2x10112x128xf32, #tpu.memory_space<hbm>>, %arg7: memref<48x128xi32, #tpu.memory_space<vmem>>, %arg8: memref<48x128xi32, #tpu.memory_space<vmem>>, %arg9: memref<2x128x128xf32, #tpu.memory_space<vmem>>, %arg10: memref<10112x128xf32, #tpu.memory_space<vmem_shared>>, %arg11: memref<!tpu.dma_semaphore, #tpu.memory_space<semaphore_mem>>, %arg12: memref<!tpu.dma_semaphore, #tpu.memory_space<semaphore_mem>>, %arg13: memref<!tpu.dma_semaphore, #tpu.memory_space<semaphore_mem>>, %arg14: memref<!tpu.dma_semaphore, #tpu.memory_space<semaphore_mem>>) attributes {dimension_semantics = [#tpu.dimension_semantics<core_parallel>, #tpu.dimension_semantics<subcore_parallel>], iteration_bounds = array<i64: 2, 16>, scalar_prefetch = 0 : i64, scratch_operands = 8 : i64, tpu.core_type = #tpu.core_type<sc_vector_subcore>, window_params = [{transform_indices = #map}, {transform_indices = #map1}, {transform_indices = #map1}, {transform_indices = #map}, {transform_indices = #map1}]} {
    %mul3A = arith.constant 16 : i32
    %mul3A_0 = arith.muli %arg0, %mul3A : i32
    %add3A = arith.addi %mul3A_0, %arg1 : i32
    %mul3A_1 = arith.constant 632 : i32
    %mul3A_2 = arith.muli %arg1, %mul3A_1 : i32
    "tpu.region"() ({
      %run_scoped3A = tpu.sem_alloc : memref<!tpu.dma_semaphore, #tpu.memory_space<semaphore_mem>>
      %dma_start3A_68 = arith.constant 0 : i32
      %dma_start3A_69 = tpu.memref_slice %arg10[%mul3A_2, %dma_start3A_68] : memref<10112x128xf32, #tpu.memory_space<vmem_shared>> -> memref<632x128xf32, #tpu.memory_space<vmem_shared>>
      tpu.enqueue_dma source(%arg5 : memref<632x128xf32, #tpu.memory_space<hbm>>) target(%dma_start3A_69 : memref<632x128xf32, #tpu.memory_space<vmem_shared>>) target_semaphore(%run_scoped3A : memref<!tpu.dma_semaphore, #tpu.memory_space<semaphore_mem>>)
      %dma_wait3A = arith.constant 0 : i32
      %dma_wait3A_70 = tpu.memref_slice %arg10[%mul3A_2, %dma_wait3A] : memref<10112x128xf32, #tpu.memory_space<vmem_shared>> -> memref<632x128xf32, #tpu.memory_space<vmem_shared>>
      tpu.wait_dma2 semaphore(%run_scoped3A : memref<!tpu.dma_semaphore, #tpu.memory_space<semaphore_mem>>) src(%arg5 : memref<632x128xf32, #tpu.memory_space<hbm>>) dst(%dma_wait3A_70 : memref<632x128xf32, #tpu.memory_space<vmem_shared>>)
      tpu.yield
    }) : () -> ()
    %barrier3A = arith.constant 0 : index
    tpu.barrier barrier_id(%barrier3A)
    "tpu.region"() ({
      %run_scoped3A = tpu.sem_alloc : memref<!tpu.dma_semaphore, #tpu.memory_space<semaphore_mem>>
      %dma_start3A_68 = arith.constant 0 : i32
      %dma_start3A_69 = arith.constant 0 : i32
      %dma_start3A_70 = tpu.memref_slice %arg7[%dma_start3A_68, %dma_start3A_69] : memref<48x128xi32, #tpu.memory_space<vmem>> -> memref<40x128xi32, #tpu.memory_space<vmem>>
      %dma_start3A_71 = arith.constant 0 : i32
      %dma_start3A_72 = arith.constant 0 : i32
      %dma_start3A_73 = tpu.memref_slice %arg3[%add3A, %dma_start3A_71, %dma_start3A_72] : memref<32x80x128xi32, #tpu.memory_space<hbm>> -> memref<1x40x128xi32, #tpu.memory_space<hbm>>
      %dma_start3A_74 = tpu.memref_squeeze %dma_start3A_73 : memref<1x40x128xi32, #tpu.memory_space<hbm>> -> memref<40x128xi32, #tpu.memory_space<hbm>>
      %dma_start3A_75 = arith.constant 0 : i32
      %dma_start3A_76 = arith.constant 0 : i32
      %dma_start3A_77 = tpu.memref_slice %arg7[%dma_start3A_75, %dma_start3A_76] : memref<48x128xi32, #tpu.memory_space<vmem>> -> memref<40x128xi32, #tpu.memory_space<vmem>>
      %dma_start3A_78 = arith.constant 0 : i32
      %dma_start3A_79 = arith.constant 0 : i32
      %dma_start3A_80 = tpu.memref_slice %arg3[%add3A, %dma_start3A_78, %dma_start3A_79] : memref<32x80x128xi32, #tpu.memory_space<hbm>> -> memref<1x40x128xi32, #tpu.memory_space<hbm>>
      %dma_start3A_81 = tpu.memref_squeeze %dma_start3A_80 : memref<1x40x128xi32, #tpu.memory_space<hbm>> -> memref<40x128xi32, #tpu.memory_space<hbm>>
      tpu.enqueue_dma source(%dma_start3A_81 : memref<40x128xi32, #tpu.memory_space<hbm>>) target(%dma_start3A_77 : memref<40x128xi32, #tpu.memory_space<vmem>>) target_semaphore(%run_scoped3A : memref<!tpu.dma_semaphore, #tpu.memory_space<semaphore_mem>>)
      %dma_wait3A = arith.constant 0 : i32
      %dma_wait3A_82 = arith.constant 0 : i32
      %dma_wait3A_83 = tpu.memref_slice %arg7[%dma_wait3A, %dma_wait3A_82] : memref<48x128xi32, #tpu.memory_space<vmem>> -> memref<40x128xi32, #tpu.memory_space<vmem>>
      %dma_wait3A_84 = arith.constant 0 : i32
      %dma_wait3A_85 = arith.constant 0 : i32
      %dma_wait3A_86 = tpu.memref_slice %arg3[%add3A, %dma_wait3A_84, %dma_wait3A_85] : memref<32x80x128xi32, #tpu.memory_space<hbm>> -> memref<1x40x128xi32, #tpu.memory_space<hbm>>
      %dma_wait3A_87 = tpu.memref_squeeze %dma_wait3A_86 : memref<1x40x128xi32, #tpu.memory_space<hbm>> -> memref<40x128xi32, #tpu.memory_space<hbm>>
      %dma_wait3A_88 = arith.constant 0 : i32
      %dma_wait3A_89 = arith.constant 0 : i32
      %dma_wait3A_90 = tpu.memref_slice %arg7[%dma_wait3A_88, %dma_wait3A_89] : memref<48x128xi32, #tpu.memory_space<vmem>> -> memref<40x128xi32, #tpu.memory_space<vmem>>
      %dma_wait3A_91 = arith.constant 0 : i32
      %dma_wait3A_92 = arith.constant 0 : i32
      %dma_wait3A_93 = tpu.memref_slice %arg3[%add3A, %dma_wait3A_91, %dma_wait3A_92] : memref<32x80x128xi32, #tpu.memory_space<hbm>> -> memref<1x40x128xi32, #tpu.memory_space<hbm>>
      %dma_wait3A_94 = tpu.memref_squeeze %dma_wait3A_93 : memref<1x40x128xi32, #tpu.memory_space<hbm>> -> memref<40x128xi32, #tpu.memory_space<hbm>>
      tpu.wait_dma2 semaphore(%run_scoped3A : memref<!tpu.dma_semaphore, #tpu.memory_space<semaphore_mem>>) src(%dma_wait3A_94 : memref<40x128xi32, #tpu.memory_space<hbm>>) dst(%dma_wait3A_90 : memref<40x128xi32, #tpu.memory_space<vmem>>)
      tpu.yield
    }) : () -> ()
    "tpu.region"() ({
      %run_scoped3A = tpu.sem_alloc : memref<!tpu.dma_semaphore, #tpu.memory_space<semaphore_mem>>
      %dma_start3A_68 = arith.constant 0 : i32
      %dma_start3A_69 = arith.constant 0 : i32
      %dma_start3A_70 = tpu.memref_slice %arg8[%dma_start3A_68, %dma_start3A_69] : memref<48x128xi32, #tpu.memory_space<vmem>> -> memref<40x128xi32, #tpu.memory_space<vmem>>
      %dma_start3A_71 = arith.constant 0 : i32
      %dma_start3A_72 = arith.constant 0 : i32
      %dma_start3A_73 = tpu.memref_slice %arg4[%add3A, %dma_start3A_71, %dma_start3A_72] : memref<32x80x128xi32, #tpu.memory_space<hbm>> -> memref<1x40x128xi32, #tpu.memory_space<hbm>>
      %dma_start3A_74 = tpu.memref_squeeze %dma_start3A_73 : memref<1x40x128xi32, #tpu.memory_space<hbm>> -> memref<40x128xi32, #tpu.memory_space<hbm>>
      %dma_start3A_75 = arith.constant 0 : i32
      %dma_start3A_76 = arith.constant 0 : i32
      %dma_start3A_77 = tpu.memref_slice %arg8[%dma_start3A_75, %dma_start3A_76] : memref<48x128xi32, #tpu.memory_space<vmem>> -> memref<40x128xi32, #tpu.memory_space<vmem>>
      %dma_start3A_78 = arith.constant 0 : i32
      %dma_start3A_79 = arith.constant 0 : i32
      %dma_start3A_80 = tpu.memref_slice %arg4[%add3A, %dma_start3A_78, %dma_start3A_79] : memref<32x80x128xi32, #tpu.memory_space<hbm>> -> memref<1x40x128xi32, #tpu.memory_space<hbm>>
      %dma_start3A_81 = tpu.memref_squeeze %dma_start3A_80 : memref<1x40x128xi32, #tpu.memory_space<hbm>> -> memref<40x128xi32, #tpu.memory_space<hbm>>
      tpu.enqueue_dma source(%dma_start3A_81 : memref<40x128xi32, #tpu.memory_space<hbm>>) target(%dma_start3A_77 : memref<40x128xi32, #tpu.memory_space<vmem>>) target_semaphore(%run_scoped3A : memref<!tpu.dma_semaphore, #tpu.memory_space<semaphore_mem>>)
      %dma_wait3A = arith.constant 0 : i32
      %dma_wait3A_82 = arith.constant 0 : i32
      %dma_wait3A_83 = tpu.memref_slice %arg8[%dma_wait3A, %dma_wait3A_82] : memref<48x128xi32, #tpu.memory_space<vmem>> -> memref<40x128xi32, #tpu.memory_space<vmem>>
      %dma_wait3A_84 = arith.constant 0 : i32
      %dma_wait3A_85 = arith.constant 0 : i32
      %dma_wait3A_86 = tpu.memref_slice %arg4[%add3A, %dma_wait3A_84, %dma_wait3A_85] : memref<32x80x128xi32, #tpu.memory_space<hbm>> -> memref<1x40x128xi32, #tpu.memory_space<hbm>>
      %dma_wait3A_87 = tpu.memref_squeeze %dma_wait3A_86 : memref<1x40x128xi32, #tpu.memory_space<hbm>> -> memref<40x128xi32, #tpu.memory_space<hbm>>
      %dma_wait3A_88 = arith.constant 0 : i32
      %dma_wait3A_89 = arith.constant 0 : i32
      %dma_wait3A_90 = tpu.memref_slice %arg8[%dma_wait3A_88, %dma_wait3A_89] : memref<48x128xi32, #tpu.memory_space<vmem>> -> memref<40x128xi32, #tpu.memory_space<vmem>>
      %dma_wait3A_91 = arith.constant 0 : i32
      %dma_wait3A_92 = arith.constant 0 : i32
      %dma_wait3A_93 = tpu.memref_slice %arg4[%add3A, %dma_wait3A_91, %dma_wait3A_92] : memref<32x80x128xi32, #tpu.memory_space<hbm>> -> memref<1x40x128xi32, #tpu.memory_space<hbm>>
      %dma_wait3A_94 = tpu.memref_squeeze %dma_wait3A_93 : memref<1x40x128xi32, #tpu.memory_space<hbm>> -> memref<40x128xi32, #tpu.memory_space<hbm>>
      tpu.wait_dma2 semaphore(%run_scoped3A : memref<!tpu.dma_semaphore, #tpu.memory_space<semaphore_mem>>) src(%dma_wait3A_94 : memref<40x128xi32, #tpu.memory_space<hbm>>) dst(%dma_wait3A_90 : memref<40x128xi32, #tpu.memory_space<vmem>>)
      tpu.yield
    }) : () -> ()
    %dma_start3A = arith.constant 0 : i32
    %dma_start3A_3 = arith.constant 0 : i32
    %dma_start3A_4 = arith.constant 0 : i32
    %dma_start3A_5 = arith.constant 0 : i32
    %dma_start3A_6 = tpu.memref_slice %arg9[%dma_start3A_3, %dma_start3A_4, %dma_start3A_5] : memref<2x128x128xf32, #tpu.memory_space<vmem>> -> memref<1x128x128xf32, #tpu.memory_space<vmem>>
    %dma_start3A_7 = tpu.memref_squeeze %dma_start3A_6 : memref<1x128x128xf32, #tpu.memory_space<vmem>> -> memref<128x128xf32, #tpu.memory_space<vmem>>
    %dma_start3A_8 = arith.constant 0 : i32
    %dma_start3A_9 = tpu.memref_slice %arg7[%dma_start3A, %dma_start3A_8] : memref<48x128xi32, #tpu.memory_space<vmem>> -> memref<1x128xi32, #tpu.memory_space<vmem>>
    %dma_start3A_10 = tpu.memref_squeeze %dma_start3A_9 : memref<1x128xi32, #tpu.memory_space<vmem>> -> memref<128xi32, #tpu.memory_space<vmem>>
    %dma_start3A_11 = arith.constant 0 : i32
    %dma_start3A_12 = arith.constant 0 : i32
    %dma_start3A_13 = tpu.memref_slice %arg2[%dma_start3A_11, %dma_start3A_12] : memref<10112x128xf32, #tpu.memory_space<hbm>> -> memref<10112x128xf32, #tpu.memory_space<hbm>>
    tpu.enqueue_indirect_dma source(%dma_start3A_13 : memref<10112x128xf32, #tpu.memory_space<hbm>>) target(%dma_start3A_7 : memref<128x128xf32, #tpu.memory_space<vmem>>) offsets(%dma_start3A_10 : memref<128xi32, #tpu.memory_space<vmem>>) semaphore(%arg11 : memref<!tpu.dma_semaphore, #tpu.memory_space<semaphore_mem>>)
    %dma_start3A_14 = arith.constant 1 : i32
    %dma_start3A_15 = arith.constant 1 : i32
    %dma_start3A_16 = arith.constant 0 : i32
    %dma_start3A_17 = arith.constant 0 : i32
    %dma_start3A_18 = tpu.memref_slice %arg9[%dma_start3A_15, %dma_start3A_16, %dma_start3A_17] : memref<2x128x128xf32, #tpu.memory_space<vmem>> -> memref<1x128x128xf32, #tpu.memory_space<vmem>>
    %dma_start3A_19 = tpu.memref_squeeze %dma_start3A_18 : memref<1x128x128xf32, #tpu.memory_space<vmem>> -> memref<128x128xf32, #tpu.memory_space<vmem>>
    %dma_start3A_20 = arith.constant 0 : i32
    %dma_start3A_21 = tpu.memref_slice %arg7[%dma_start3A_14, %dma_start3A_20] : memref<48x128xi32, #tpu.memory_space<vmem>> -> memref<1x128xi32, #tpu.memory_space<vmem>>
    %dma_start3A_22 = tpu.memref_squeeze %dma_start3A_21 : memref<1x128xi32, #tpu.memory_space<vmem>> -> memref<128xi32, #tpu.memory_space<vmem>>
    %dma_start3A_23 = arith.constant 0 : i32
    %dma_start3A_24 = arith.constant 0 : i32
    %dma_start3A_25 = tpu.memref_slice %arg2[%dma_start3A_23, %dma_start3A_24] : memref<10112x128xf32, #tpu.memory_space<hbm>> -> memref<10112x128xf32, #tpu.memory_space<hbm>>
    tpu.enqueue_indirect_dma source(%dma_start3A_25 : memref<10112x128xf32, #tpu.memory_space<hbm>>) target(%dma_start3A_19 : memref<128x128xf32, #tpu.memory_space<vmem>>) offsets(%dma_start3A_22 : memref<128xi32, #tpu.memory_space<vmem>>) semaphore(%arg12 : memref<!tpu.dma_semaphore, #tpu.memory_space<semaphore_mem>>)
    %scan3A = arith.constant 0 : i32
    %scan3A_26 = arith.constant 0 : i32
    %scan3A_27 = arith.constant 1 : i32
    %scan3A_28 = arith.constant 0 : i32
    %scan3A_29 = arith.constant 20 : i32
    %scan3A_30 = arith.addi %scan3A_28, %scan3A_29 : i32
    %scan3A_31 = arith.constant 1 : i32
    scf.for %scan3A_68 = %scan3A_28 to %scan3A_30 step %scan3A_31  : i32 {
      %mul3A_69 = arith.constant 2 : i32
      %mul3A_70 = arith.muli %mul3A_69, %scan3A_68 : i32
      %dma_wait3A = arith.constant 0 : i32
      %dma_wait3A_71 = arith.constant 0 : i32
      %dma_wait3A_72 = tpu.memref_slice %arg9[%scan3A_26, %dma_wait3A, %dma_wait3A_71] : memref<2x128x128xf32, #tpu.memory_space<vmem>> -> memref<1x128x128xf32, #tpu.memory_space<vmem>>
      %dma_wait3A_73 = tpu.memref_squeeze %dma_wait3A_72 : memref<1x128x128xf32, #tpu.memory_space<vmem>> -> memref<128x128xf32, #tpu.memory_space<vmem>>
      %dma_wait3A_74 = arith.constant 0 : i32
      %dma_wait3A_75 = tpu.memref_slice %arg7[%mul3A_70, %dma_wait3A_74] : memref<48x128xi32, #tpu.memory_space<vmem>> -> memref<1x128xi32, #tpu.memory_space<vmem>>
      %dma_wait3A_76 = tpu.memref_squeeze %dma_wait3A_75 : memref<1x128xi32, #tpu.memory_space<vmem>> -> memref<128xi32, #tpu.memory_space<vmem>>
      %dma_wait3A_77 = arith.constant 0 : i32
      %dma_wait3A_78 = arith.constant 0 : i32
      %dma_wait3A_79 = tpu.memref_slice %arg2[%dma_wait3A_77, %dma_wait3A_78] : memref<10112x128xf32, #tpu.memory_space<hbm>> -> memref<10112x128xf32, #tpu.memory_space<hbm>>
      tpu.wait_indirect_dma semaphore(%arg11 : memref<!tpu.dma_semaphore, #tpu.memory_space<semaphore_mem>>) src(%dma_wait3A_79 : memref<10112x128xf32, #tpu.memory_space<hbm>>) dst(%dma_wait3A_73 : memref<128x128xf32, #tpu.memory_space<vmem>>)
      %dma_start3A_80 = arith.constant 0 : i32
      %dma_start3A_81 = arith.constant 0 : i32
      %dma_start3A_82 = tpu.memref_slice %arg9[%scan3A_26, %dma_start3A_80, %dma_start3A_81] : memref<2x128x128xf32, #tpu.memory_space<vmem>> -> memref<1x128x128xf32, #tpu.memory_space<vmem>>
      %dma_start3A_83 = tpu.memref_squeeze %dma_start3A_82 : memref<1x128x128xf32, #tpu.memory_space<vmem>> -> memref<128x128xf32, #tpu.memory_space<vmem>>
      %dma_start3A_84 = arith.constant 0 : i32
      %dma_start3A_85 = tpu.memref_slice %arg8[%mul3A_70, %dma_start3A_84] : memref<48x128xi32, #tpu.memory_space<vmem>> -> memref<1x128xi32, #tpu.memory_space<vmem>>
      %dma_start3A_86 = tpu.memref_squeeze %dma_start3A_85 : memref<1x128xi32, #tpu.memory_space<vmem>> -> memref<128xi32, #tpu.memory_space<vmem>>
      %dma_start3A_87 = arith.constant 0 : i32
      %dma_start3A_88 = arith.constant 0 : i32
      %dma_start3A_89 = tpu.memref_slice %arg10[%dma_start3A_87, %dma_start3A_88] : memref<10112x128xf32, #tpu.memory_space<vmem_shared>> -> memref<10112x128xf32, #tpu.memory_space<vmem_shared>>
      tpu.enqueue_indirect_dma source(%dma_start3A_83 : memref<128x128xf32, #tpu.memory_space<vmem>>) target(%dma_start3A_89 : memref<10112x128xf32, #tpu.memory_space<vmem_shared>>) offsets(%dma_start3A_86 : memref<128xi32, #tpu.memory_space<vmem>>) semaphore(%arg13 : memref<!tpu.dma_semaphore, #tpu.memory_space<semaphore_mem>>) {add = true}
      %add3A_90 = arith.constant 1 : i32
      %add3A_91 = arith.addi %mul3A_70, %add3A_90 : i32
      %dma_wait3A_92 = arith.constant 0 : i32
      %dma_wait3A_93 = arith.constant 0 : i32
      %dma_wait3A_94 = tpu.memref_slice %arg9[%scan3A_27, %dma_wait3A_92, %dma_wait3A_93] : memref<2x128x128xf32, #tpu.memory_space<vmem>> -> memref<1x128x128xf32, #tpu.memory_space<vmem>>
      %dma_wait3A_95 = tpu.memref_squeeze %dma_wait3A_94 : memref<1x128x128xf32, #tpu.memory_space<vmem>> -> memref<128x128xf32, #tpu.memory_space<vmem>>
      %dma_wait3A_96 = arith.constant 0 : i32
      %dma_wait3A_97 = tpu.memref_slice %arg7[%add3A_91, %dma_wait3A_96] : memref<48x128xi32, #tpu.memory_space<vmem>> -> memref<1x128xi32, #tpu.memory_space<vmem>>
      %dma_wait3A_98 = tpu.memref_squeeze %dma_wait3A_97 : memref<1x128xi32, #tpu.memory_space<vmem>> -> memref<128xi32, #tpu.memory_space<vmem>>
      %dma_wait3A_99 = arith.constant 0 : i32
      %dma_wait3A_100 = arith.constant 0 : i32
      %dma_wait3A_101 = tpu.memref_slice %arg2[%dma_wait3A_99, %dma_wait3A_100] : memref<10112x128xf32, #tpu.memory_space<hbm>> -> memref<10112x128xf32, #tpu.memory_space<hbm>>
      tpu.wait_indirect_dma semaphore(%arg12 : memref<!tpu.dma_semaphore, #tpu.memory_space<semaphore_mem>>) src(%dma_wait3A_101 : memref<10112x128xf32, #tpu.memory_space<hbm>>) dst(%dma_wait3A_95 : memref<128x128xf32, #tpu.memory_space<vmem>>)
      %add3A_102 = arith.constant 1 : i32
      %add3A_103 = arith.addi %mul3A_70, %add3A_102 : i32
      %dma_start3A_104 = arith.constant 0 : i32
      %dma_start3A_105 = arith.constant 0 : i32
      %dma_start3A_106 = tpu.memref_slice %arg9[%scan3A_27, %dma_start3A_104, %dma_start3A_105] : memref<2x128x128xf32, #tpu.memory_space<vmem>> -> memref<1x128x128xf32, #tpu.memory_space<vmem>>
      %dma_start3A_107 = tpu.memref_squeeze %dma_start3A_106 : memref<1x128x128xf32, #tpu.memory_space<vmem>> -> memref<128x128xf32, #tpu.memory_space<vmem>>
      %dma_start3A_108 = arith.constant 0 : i32
      %dma_start3A_109 = tpu.memref_slice %arg8[%add3A_103, %dma_start3A_108] : memref<48x128xi32, #tpu.memory_space<vmem>> -> memref<1x128xi32, #tpu.memory_space<vmem>>
      %dma_start3A_110 = tpu.memref_squeeze %dma_start3A_109 : memref<1x128xi32, #tpu.memory_space<vmem>> -> memref<128xi32, #tpu.memory_space<vmem>>
      %dma_start3A_111 = arith.constant 0 : i32
      %dma_start3A_112 = arith.constant 0 : i32
      %dma_start3A_113 = tpu.memref_slice %arg10[%dma_start3A_111, %dma_start3A_112] : memref<10112x128xf32, #tpu.memory_space<vmem_shared>> -> memref<10112x128xf32, #tpu.memory_space<vmem_shared>>
      tpu.enqueue_indirect_dma source(%dma_start3A_107 : memref<128x128xf32, #tpu.memory_space<vmem>>) target(%dma_start3A_113 : memref<10112x128xf32, #tpu.memory_space<vmem_shared>>) offsets(%dma_start3A_110 : memref<128xi32, #tpu.memory_space<vmem>>) semaphore(%arg14 : memref<!tpu.dma_semaphore, #tpu.memory_space<semaphore_mem>>) {add = true}
      %dma_wait3A_114 = arith.constant 0 : i32
      %dma_wait3A_115 = arith.constant 0 : i32
      %dma_wait3A_116 = tpu.memref_slice %arg9[%scan3A_26, %dma_wait3A_114, %dma_wait3A_115] : memref<2x128x128xf32, #tpu.memory_space<vmem>> -> memref<1x128x128xf32, #tpu.memory_space<vmem>>
      %dma_wait3A_117 = tpu.memref_squeeze %dma_wait3A_116 : memref<1x128x128xf32, #tpu.memory_space<vmem>> -> memref<128x128xf32, #tpu.memory_space<vmem>>
      %dma_wait3A_118 = arith.constant 0 : i32
      %dma_wait3A_119 = tpu.memref_slice %arg8[%mul3A_70, %dma_wait3A_118] : memref<48x128xi32, #tpu.memory_space<vmem>> -> memref<1x128xi32, #tpu.memory_space<vmem>>
      %dma_wait3A_120 = tpu.memref_squeeze %dma_wait3A_119 : memref<1x128xi32, #tpu.memory_space<vmem>> -> memref<128xi32, #tpu.memory_space<vmem>>
      %dma_wait3A_121 = arith.constant 0 : i32
      %dma_wait3A_122 = arith.constant 0 : i32
      %dma_wait3A_123 = tpu.memref_slice %arg10[%dma_wait3A_121, %dma_wait3A_122] : memref<10112x128xf32, #tpu.memory_space<vmem_shared>> -> memref<10112x128xf32, #tpu.memory_space<vmem_shared>>
      tpu.wait_indirect_dma semaphore(%arg13 : memref<!tpu.dma_semaphore, #tpu.memory_space<semaphore_mem>>) src(%dma_wait3A_117 : memref<128x128xf32, #tpu.memory_space<vmem>>) dst(%dma_wait3A_123 : memref<10112x128xf32, #tpu.memory_space<vmem_shared>>)
      %lt3A = arith.constant 19 : i32
      %lt3A_124 = arith.cmpi slt, %scan3A_68, %lt3A : i32
      %convert_element_type3A = arith.extui %lt3A_124 : i1 to i32
      %cond3A = arith.constant 0 : i32
      %cond3A_125 = arith.cmpi ne, %convert_element_type3A, %cond3A : i32
      scf.if %cond3A_125 {
        %add3A_143 = arith.constant 2 : i32
        %add3A_144 = arith.addi %mul3A_70, %add3A_143 : i32
        %dma_start3A_145 = arith.constant 0 : i32
        %dma_start3A_146 = arith.constant 0 : i32
        %dma_start3A_147 = tpu.memref_slice %arg9[%scan3A_26, %dma_start3A_145, %dma_start3A_146] : memref<2x128x128xf32, #tpu.memory_space<vmem>> -> memref<1x128x128xf32, #tpu.memory_space<vmem>>
        %dma_start3A_148 = tpu.memref_squeeze %dma_start3A_147 : memref<1x128x128xf32, #tpu.memory_space<vmem>> -> memref<128x128xf32, #tpu.memory_space<vmem>>
        %dma_start3A_149 = arith.constant 0 : i32
        %dma_start3A_150 = tpu.memref_slice %arg7[%add3A_144, %dma_start3A_149] : memref<48x128xi32, #tpu.memory_space<vmem>> -> memref<1x128xi32, #tpu.memory_space<vmem>>
        %dma_start3A_151 = tpu.memref_squeeze %dma_start3A_150 : memref<1x128xi32, #tpu.memory_space<vmem>> -> memref<128xi32, #tpu.memory_space<vmem>>
        %dma_start3A_152 = arith.constant 0 : i32
        %dma_start3A_153 = arith.constant 0 : i32
        %dma_start3A_154 = tpu.memref_slice %arg2[%dma_start3A_152, %dma_start3A_153] : memref<10112x128xf32, #tpu.memory_space<hbm>> -> memref<10112x128xf32, #tpu.memory_space<hbm>>
        tpu.enqueue_indirect_dma source(%dma_start3A_154 : memref<10112x128xf32, #tpu.memory_space<hbm>>) target(%dma_start3A_148 : memref<128x128xf32, #tpu.memory_space<vmem>>) offsets(%dma_start3A_151 : memref<128xi32, #tpu.memory_space<vmem>>) semaphore(%arg11 : memref<!tpu.dma_semaphore, #tpu.memory_space<semaphore_mem>>)
      } else {
      }
      %add3A_126 = arith.constant 1 : i32
      %add3A_127 = arith.addi %mul3A_70, %add3A_126 : i32
      %dma_wait3A_128 = arith.constant 0 : i32
      %dma_wait3A_129 = arith.constant 0 : i32
      %dma_wait3A_130 = tpu.memref_slice %arg9[%scan3A_27, %dma_wait3A_128, %dma_wait3A_129] : memref<2x128x128xf32, #tpu.memory_space<vmem>> -> memref<1x128x128xf32, #tpu.memory_space<vmem>>
      %dma_wait3A_131 = tpu.memref_squeeze %dma_wait3A_130 : memref<1x128x128xf32, #tpu.memory_space<vmem>> -> memref<128x128xf32, #tpu.memory_space<vmem>>
      %dma_wait3A_132 = arith.constant 0 : i32
      %dma_wait3A_133 = tpu.memref_slice %arg8[%add3A_127, %dma_wait3A_132] : memref<48x128xi32, #tpu.memory_space<vmem>> -> memref<1x128xi32, #tpu.memory_space<vmem>>
      %dma_wait3A_134 = tpu.memref_squeeze %dma_wait3A_133 : memref<1x128xi32, #tpu.memory_space<vmem>> -> memref<128xi32, #tpu.memory_space<vmem>>
      %dma_wait3A_135 = arith.constant 0 : i32
      %dma_wait3A_136 = arith.constant 0 : i32
      %dma_wait3A_137 = tpu.memref_slice %arg10[%dma_wait3A_135, %dma_wait3A_136] : memref<10112x128xf32, #tpu.memory_space<vmem_shared>> -> memref<10112x128xf32, #tpu.memory_space<vmem_shared>>
      tpu.wait_indirect_dma semaphore(%arg14 : memref<!tpu.dma_semaphore, #tpu.memory_space<semaphore_mem>>) src(%dma_wait3A_131 : memref<128x128xf32, #tpu.memory_space<vmem>>) dst(%dma_wait3A_137 : memref<10112x128xf32, #tpu.memory_space<vmem_shared>>)
      %lt3A_138 = arith.constant 19 : i32
      %lt3A_139 = arith.cmpi slt, %scan3A_68, %lt3A_138 : i32
      %convert_element_type3A_140 = arith.extui %lt3A_139 : i1 to i32
      %cond3A_141 = arith.constant 0 : i32
      %cond3A_142 = arith.cmpi ne, %convert_element_type3A_140, %cond3A_141 : i32
      scf.if %cond3A_142 {
        %add3A_143 = arith.constant 3 : i32
        %add3A_144 = arith.addi %mul3A_70, %add3A_143 : i32
        %dma_start3A_145 = arith.constant 0 : i32
        %dma_start3A_146 = arith.constant 0 : i32
        %dma_start3A_147 = tpu.memref_slice %arg9[%scan3A_27, %dma_start3A_145, %dma_start3A_146] : memref<2x128x128xf32, #tpu.memory_space<vmem>> -> memref<1x128x128xf32, #tpu.memory_space<vmem>>
        %dma_start3A_148 = tpu.memref_squeeze %dma_start3A_147 : memref<1x128x128xf32, #tpu.memory_space<vmem>> -> memref<128x128xf32, #tpu.memory_space<vmem>>
        %dma_start3A_149 = arith.constant 0 : i32
        %dma_start3A_150 = tpu.memref_slice %arg7[%add3A_144, %dma_start3A_149] : memref<48x128xi32, #tpu.memory_space<vmem>> -> memref<1x128xi32, #tpu.memory_space<vmem>>
        %dma_start3A_151 = tpu.memref_squeeze %dma_start3A_150 : memref<1x128xi32, #tpu.memory_space<vmem>> -> memref<128xi32, #tpu.memory_space<vmem>>
        %dma_start3A_152 = arith.constant 0 : i32
        %dma_start3A_153 = arith.constant 0 : i32
        %dma_start3A_154 = tpu.memref_slice %arg2[%dma_start3A_152, %dma_start3A_153] : memref<10112x128xf32, #tpu.memory_space<hbm>> -> memref<10112x128xf32, #tpu.memory_space<hbm>>
        tpu.enqueue_indirect_dma source(%dma_start3A_154 : memref<10112x128xf32, #tpu.memory_space<hbm>>) target(%dma_start3A_148 : memref<128x128xf32, #tpu.memory_space<vmem>>) offsets(%dma_start3A_151 : memref<128xi32, #tpu.memory_space<vmem>>) semaphore(%arg12 : memref<!tpu.dma_semaphore, #tpu.memory_space<semaphore_mem>>)
      } else {
      }
    }
    %scan3A_32 = arith.constant 20 : i32
    "tpu.region"() ({
      %run_scoped3A = tpu.sem_alloc : memref<!tpu.dma_semaphore, #tpu.memory_space<semaphore_mem>>
      %dma_start3A_68 = arith.constant 0 : i32
      %dma_start3A_69 = arith.constant 0 : i32
      %dma_start3A_70 = tpu.memref_slice %arg7[%dma_start3A_68, %dma_start3A_69] : memref<48x128xi32, #tpu.memory_space<vmem>> -> memref<40x128xi32, #tpu.memory_space<vmem>>
      %dma_start3A_71 = arith.constant 40 : i32
      %dma_start3A_72 = arith.constant 0 : i32
      %dma_start3A_73 = tpu.memref_slice %arg3[%add3A, %dma_start3A_71, %dma_start3A_72] : memref<32x80x128xi32, #tpu.memory_space<hbm>> -> memref<1x40x128xi32, #tpu.memory_space<hbm>>
      %dma_start3A_74 = tpu.memref_squeeze %dma_start3A_73 : memref<1x40x128xi32, #tpu.memory_space<hbm>> -> memref<40x128xi32, #tpu.memory_space<hbm>>
      %dma_start3A_75 = arith.constant 0 : i32
      %dma_start3A_76 = arith.constant 0 : i32
      %dma_start3A_77 = tpu.memref_slice %arg7[%dma_start3A_75, %dma_start3A_76] : memref<48x128xi32, #tpu.memory_space<vmem>> -> memref<40x128xi32, #tpu.memory_space<vmem>>
      %dma_start3A_78 = arith.constant 40 : i32
      %dma_start3A_79 = arith.constant 0 : i32
      %dma_start3A_80 = tpu.memref_slice %arg3[%add3A, %dma_start3A_78, %dma_start3A_79] : memref<32x80x128xi32, #tpu.memory_space<hbm>> -> memref<1x40x128xi32, #tpu.memory_space<hbm>>
      %dma_start3A_81 = tpu.memref_squeeze %dma_start3A_80 : memref<1x40x128xi32, #tpu.memory_space<hbm>> -> memref<40x128xi32, #tpu.memory_space<hbm>>
      tpu.enqueue_dma source(%dma_start3A_81 : memref<40x128xi32, #tpu.memory_space<hbm>>) target(%dma_start3A_77 : memref<40x128xi32, #tpu.memory_space<vmem>>) target_semaphore(%run_scoped3A : memref<!tpu.dma_semaphore, #tpu.memory_space<semaphore_mem>>)
      %dma_wait3A = arith.constant 0 : i32
      %dma_wait3A_82 = arith.constant 0 : i32
      %dma_wait3A_83 = tpu.memref_slice %arg7[%dma_wait3A, %dma_wait3A_82] : memref<48x128xi32, #tpu.memory_space<vmem>> -> memref<40x128xi32, #tpu.memory_space<vmem>>
      %dma_wait3A_84 = arith.constant 40 : i32
      %dma_wait3A_85 = arith.constant 0 : i32
      %dma_wait3A_86 = tpu.memref_slice %arg3[%add3A, %dma_wait3A_84, %dma_wait3A_85] : memref<32x80x128xi32, #tpu.memory_space<hbm>> -> memref<1x40x128xi32, #tpu.memory_space<hbm>>
      %dma_wait3A_87 = tpu.memref_squeeze %dma_wait3A_86 : memref<1x40x128xi32, #tpu.memory_space<hbm>> -> memref<40x128xi32, #tpu.memory_space<hbm>>
      %dma_wait3A_88 = arith.constant 0 : i32
      %dma_wait3A_89 = arith.constant 0 : i32
      %dma_wait3A_90 = tpu.memref_slice %arg7[%dma_wait3A_88, %dma_wait3A_89] : memref<48x128xi32, #tpu.memory_space<vmem>> -> memref<40x128xi32, #tpu.memory_space<vmem>>
      %dma_wait3A_91 = arith.constant 40 : i32
      %dma_wait3A_92 = arith.constant 0 : i32
      %dma_wait3A_93 = tpu.memref_slice %arg3[%add3A, %dma_wait3A_91, %dma_wait3A_92] : memref<32x80x128xi32, #tpu.memory_space<hbm>> -> memref<1x40x128xi32, #tpu.memory_space<hbm>>
      %dma_wait3A_94 = tpu.memref_squeeze %dma_wait3A_93 : memref<1x40x128xi32, #tpu.memory_space<hbm>> -> memref<40x128xi32, #tpu.memory_space<hbm>>
      tpu.wait_dma2 semaphore(%run_scoped3A : memref<!tpu.dma_semaphore, #tpu.memory_space<semaphore_mem>>) src(%dma_wait3A_94 : memref<40x128xi32, #tpu.memory_space<hbm>>) dst(%dma_wait3A_90 : memref<40x128xi32, #tpu.memory_space<vmem>>)
      tpu.yield
    }) : () -> ()
    "tpu.region"() ({
      %run_scoped3A = tpu.sem_alloc : memref<!tpu.dma_semaphore, #tpu.memory_space<semaphore_mem>>
      %dma_start3A_68 = arith.constant 0 : i32
      %dma_start3A_69 = arith.constant 0 : i32
      %dma_start3A_70 = tpu.memref_slice %arg8[%dma_start3A_68, %dma_start3A_69] : memref<48x128xi32, #tpu.memory_space<vmem>> -> memref<40x128xi32, #tpu.memory_space<vmem>>
      %dma_start3A_71 = arith.constant 40 : i32
      %dma_start3A_72 = arith.constant 0 : i32
      %dma_start3A_73 = tpu.memref_slice %arg4[%add3A, %dma_start3A_71, %dma_start3A_72] : memref<32x80x128xi32, #tpu.memory_space<hbm>> -> memref<1x40x128xi32, #tpu.memory_space<hbm>>
      %dma_start3A_74 = tpu.memref_squeeze %dma_start3A_73 : memref<1x40x128xi32, #tpu.memory_space<hbm>> -> memref<40x128xi32, #tpu.memory_space<hbm>>
      %dma_start3A_75 = arith.constant 0 : i32
      %dma_start3A_76 = arith.constant 0 : i32
      %dma_start3A_77 = tpu.memref_slice %arg8[%dma_start3A_75, %dma_start3A_76] : memref<48x128xi32, #tpu.memory_space<vmem>> -> memref<40x128xi32, #tpu.memory_space<vmem>>
      %dma_start3A_78 = arith.constant 40 : i32
      %dma_start3A_79 = arith.constant 0 : i32
      %dma_start3A_80 = tpu.memref_slice %arg4[%add3A, %dma_start3A_78, %dma_start3A_79] : memref<32x80x128xi32, #tpu.memory_space<hbm>> -> memref<1x40x128xi32, #tpu.memory_space<hbm>>
      %dma_start3A_81 = tpu.memref_squeeze %dma_start3A_80 : memref<1x40x128xi32, #tpu.memory_space<hbm>> -> memref<40x128xi32, #tpu.memory_space<hbm>>
      tpu.enqueue_dma source(%dma_start3A_81 : memref<40x128xi32, #tpu.memory_space<hbm>>) target(%dma_start3A_77 : memref<40x128xi32, #tpu.memory_space<vmem>>) target_semaphore(%run_scoped3A : memref<!tpu.dma_semaphore, #tpu.memory_space<semaphore_mem>>)
      %dma_wait3A = arith.constant 0 : i32
      %dma_wait3A_82 = arith.constant 0 : i32
      %dma_wait3A_83 = tpu.memref_slice %arg8[%dma_wait3A, %dma_wait3A_82] : memref<48x128xi32, #tpu.memory_space<vmem>> -> memref<40x128xi32, #tpu.memory_space<vmem>>
      %dma_wait3A_84 = arith.constant 40 : i32
      %dma_wait3A_85 = arith.constant 0 : i32
      %dma_wait3A_86 = tpu.memref_slice %arg4[%add3A, %dma_wait3A_84, %dma_wait3A_85] : memref<32x80x128xi32, #tpu.memory_space<hbm>> -> memref<1x40x128xi32, #tpu.memory_space<hbm>>
      %dma_wait3A_87 = tpu.memref_squeeze %dma_wait3A_86 : memref<1x40x128xi32, #tpu.memory_space<hbm>> -> memref<40x128xi32, #tpu.memory_space<hbm>>
      %dma_wait3A_88 = arith.constant 0 : i32
      %dma_wait3A_89 = arith.constant 0 : i32
      %dma_wait3A_90 = tpu.memref_slice %arg8[%dma_wait3A_88, %dma_wait3A_89] : memref<48x128xi32, #tpu.memory_space<vmem>> -> memref<40x128xi32, #tpu.memory_space<vmem>>
      %dma_wait3A_91 = arith.constant 40 : i32
      %dma_wait3A_92 = arith.constant 0 : i32
      %dma_wait3A_93 = tpu.memref_slice %arg4[%add3A, %dma_wait3A_91, %dma_wait3A_92] : memref<32x80x128xi32, #tpu.memory_space<hbm>> -> memref<1x40x128xi32, #tpu.memory_space<hbm>>
      %dma_wait3A_94 = tpu.memref_squeeze %dma_wait3A_93 : memref<1x40x128xi32, #tpu.memory_space<hbm>> -> memref<40x128xi32, #tpu.memory_space<hbm>>
      tpu.wait_dma2 semaphore(%run_scoped3A : memref<!tpu.dma_semaphore, #tpu.memory_space<semaphore_mem>>) src(%dma_wait3A_94 : memref<40x128xi32, #tpu.memory_space<hbm>>) dst(%dma_wait3A_90 : memref<40x128xi32, #tpu.memory_space<vmem>>)
      tpu.yield
    }) : () -> ()
    %dma_start3A_33 = arith.constant 0 : i32
    %dma_start3A_34 = arith.constant 0 : i32
    %dma_start3A_35 = arith.constant 0 : i32
    %dma_start3A_36 = arith.constant 0 : i32
    %dma_start3A_37 = tpu.memref_slice %arg9[%dma_start3A_34, %dma_start3A_35, %dma_start3A_36] : memref<2x128x128xf32, #tpu.memory_space<vmem>> -> memref<1x128x128xf32, #tpu.memory_space<vmem>>
    %dma_start3A_38 = tpu.memref_squeeze %dma_start3A_37 : memref<1x128x128xf32, #tpu.memory_space<vmem>> -> memref<128x128xf32, #tpu.memory_space<vmem>>
    %dma_start3A_39 = arith.constant 0 : i32
    %dma_start3A_40 = tpu.memref_slice %arg7[%dma_start3A_33, %dma_start3A_39] : memref<48x128xi32, #tpu.memory_space<vmem>> -> memref<1x128xi32, #tpu.memory_space<vmem>>
    %dma_start3A_41 = tpu.memref_squeeze %dma_start3A_40 : memref<1x128xi32, #tpu.memory_space<vmem>> -> memref<128xi32, #tpu.memory_space<vmem>>
    %dma_start3A_42 = arith.constant 0 : i32
    %dma_start3A_43 = arith.constant 0 : i32
    %dma_start3A_44 = tpu.memref_slice %arg2[%dma_start3A_42, %dma_start3A_43] : memref<10112x128xf32, #tpu.memory_space<hbm>> -> memref<10112x128xf32, #tpu.memory_space<hbm>>
    tpu.enqueue_indirect_dma source(%dma_start3A_44 : memref<10112x128xf32, #tpu.memory_space<hbm>>) target(%dma_start3A_38 : memref<128x128xf32, #tpu.memory_space<vmem>>) offsets(%dma_start3A_41 : memref<128xi32, #tpu.memory_space<vmem>>) semaphore(%arg11 : memref<!tpu.dma_semaphore, #tpu.memory_space<semaphore_mem>>)
    %dma_start3A_45 = arith.constant 1 : i32
    %dma_start3A_46 = arith.constant 1 : i32
    %dma_start3A_47 = arith.constant 0 : i32
    %dma_start3A_48 = arith.constant 0 : i32
    %dma_start3A_49 = tpu.memref_slice %arg9[%dma_start3A_46, %dma_start3A_47, %dma_start3A_48] : memref<2x128x128xf32, #tpu.memory_space<vmem>> -> memref<1x128x128xf32, #tpu.memory_space<vmem>>
    %dma_start3A_50 = tpu.memref_squeeze %dma_start3A_49 : memref<1x128x128xf32, #tpu.memory_space<vmem>> -> memref<128x128xf32, #tpu.memory_space<vmem>>
    %dma_start3A_51 = arith.constant 0 : i32
    %dma_start3A_52 = tpu.memref_slice %arg7[%dma_start3A_45, %dma_start3A_51] : memref<48x128xi32, #tpu.memory_space<vmem>> -> memref<1x128xi32, #tpu.memory_space<vmem>>
    %dma_start3A_53 = tpu.memref_squeeze %dma_start3A_52 : memref<1x128xi32, #tpu.memory_space<vmem>> -> memref<128xi32, #tpu.memory_space<vmem>>
    %dma_start3A_54 = arith.constant 0 : i32
    %dma_start3A_55 = arith.constant 0 : i32
    %dma_start3A_56 = tpu.memref_slice %arg2[%dma_start3A_54, %dma_start3A_55] : memref<10112x128xf32, #tpu.memory_space<hbm>> -> memref<10112x128xf32, #tpu.memory_space<hbm>>
    tpu.enqueue_indirect_dma source(%dma_start3A_56 : memref<10112x128xf32, #tpu.memory_space<hbm>>) target(%dma_start3A_50 : memref<128x128xf32, #tpu.memory_space<vmem>>) offsets(%dma_start3A_53 : memref<128xi32, #tpu.memory_space<vmem>>) semaphore(%arg12 : memref<!tpu.dma_semaphore, #tpu.memory_space<semaphore_mem>>)
    %scan3A_57 = arith.constant 0 : i32
    %scan3A_58 = arith.constant 0 : i32
    %scan3A_59 = arith.constant 1 : i32
    %scan3A_60 = arith.constant 0 : i32
    %scan3A_61 = arith.constant 20 : i32
    %scan3A_62 = arith.addi %scan3A_60, %scan3A_61 : i32
    %scan3A_63 = arith.constant 1 : i32
    scf.for %scan3A_68 = %scan3A_60 to %scan3A_62 step %scan3A_63  : i32 {
      %mul3A_69 = arith.constant 2 : i32
      %mul3A_70 = arith.muli %mul3A_69, %scan3A_68 : i32
      %dma_wait3A = arith.constant 0 : i32
      %dma_wait3A_71 = arith.constant 0 : i32
      %dma_wait3A_72 = tpu.memref_slice %arg9[%scan3A_58, %dma_wait3A, %dma_wait3A_71] : memref<2x128x128xf32, #tpu.memory_space<vmem>> -> memref<1x128x128xf32, #tpu.memory_space<vmem>>
      %dma_wait3A_73 = tpu.memref_squeeze %dma_wait3A_72 : memref<1x128x128xf32, #tpu.memory_space<vmem>> -> memref<128x128xf32, #tpu.memory_space<vmem>>
      %dma_wait3A_74 = arith.constant 0 : i32
      %dma_wait3A_75 = tpu.memref_slice %arg7[%mul3A_70, %dma_wait3A_74] : memref<48x128xi32, #tpu.memory_space<vmem>> -> memref<1x128xi32, #tpu.memory_space<vmem>>
      %dma_wait3A_76 = tpu.memref_squeeze %dma_wait3A_75 : memref<1x128xi32, #tpu.memory_space<vmem>> -> memref<128xi32, #tpu.memory_space<vmem>>
      %dma_wait3A_77 = arith.constant 0 : i32
      %dma_wait3A_78 = arith.constant 0 : i32
      %dma_wait3A_79 = tpu.memref_slice %arg2[%dma_wait3A_77, %dma_wait3A_78] : memref<10112x128xf32, #tpu.memory_space<hbm>> -> memref<10112x128xf32, #tpu.memory_space<hbm>>
      tpu.wait_indirect_dma semaphore(%arg11 : memref<!tpu.dma_semaphore, #tpu.memory_space<semaphore_mem>>) src(%dma_wait3A_79 : memref<10112x128xf32, #tpu.memory_space<hbm>>) dst(%dma_wait3A_73 : memref<128x128xf32, #tpu.memory_space<vmem>>)
      %dma_start3A_80 = arith.constant 0 : i32
      %dma_start3A_81 = arith.constant 0 : i32
      %dma_start3A_82 = tpu.memref_slice %arg9[%scan3A_58, %dma_start3A_80, %dma_start3A_81] : memref<2x128x128xf32, #tpu.memory_space<vmem>> -> memref<1x128x128xf32, #tpu.memory_space<vmem>>
      %dma_start3A_83 = tpu.memref_squeeze %dma_start3A_82 : memref<1x128x128xf32, #tpu.memory_space<vmem>> -> memref<128x128xf32, #tpu.memory_space<vmem>>
      %dma_start3A_84 = arith.constant 0 : i32
      %dma_start3A_85 = tpu.memref_slice %arg8[%mul3A_70, %dma_start3A_84] : memref<48x128xi32, #tpu.memory_space<vmem>> -> memref<1x128xi32, #tpu.memory_space<vmem>>
      %dma_start3A_86 = tpu.memref_squeeze %dma_start3A_85 : memref<1x128xi32, #tpu.memory_space<vmem>> -> memref<128xi32, #tpu.memory_space<vmem>>
      %dma_start3A_87 = arith.constant 0 : i32
      %dma_start3A_88 = arith.constant 0 : i32
      %dma_start3A_89 = tpu.memref_slice %arg10[%dma_start3A_87, %dma_start3A_88] : memref<10112x128xf32, #tpu.memory_space<vmem_shared>> -> memref<10112x128xf32, #tpu.memory_space<vmem_shared>>
      tpu.enqueue_indirect_dma source(%dma_start3A_83 : memref<128x128xf32, #tpu.memory_space<vmem>>) target(%dma_start3A_89 : memref<10112x128xf32, #tpu.memory_space<vmem_shared>>) offsets(%dma_start3A_86 : memref<128xi32, #tpu.memory_space<vmem>>) semaphore(%arg13 : memref<!tpu.dma_semaphore, #tpu.memory_space<semaphore_mem>>) {add = true}
      %add3A_90 = arith.constant 1 : i32
      %add3A_91 = arith.addi %mul3A_70, %add3A_90 : i32
      %dma_wait3A_92 = arith.constant 0 : i32
      %dma_wait3A_93 = arith.constant 0 : i32
      %dma_wait3A_94 = tpu.memref_slice %arg9[%scan3A_59, %dma_wait3A_92, %dma_wait3A_93] : memref<2x128x128xf32, #tpu.memory_space<vmem>> -> memref<1x128x128xf32, #tpu.memory_space<vmem>>
      %dma_wait3A_95 = tpu.memref_squeeze %dma_wait3A_94 : memref<1x128x128xf32, #tpu.memory_space<vmem>> -> memref<128x128xf32, #tpu.memory_space<vmem>>
      %dma_wait3A_96 = arith.constant 0 : i32
      %dma_wait3A_97 = tpu.memref_slice %arg7[%add3A_91, %dma_wait3A_96] : memref<48x128xi32, #tpu.memory_space<vmem>> -> memref<1x128xi32, #tpu.memory_space<vmem>>
      %dma_wait3A_98 = tpu.memref_squeeze %dma_wait3A_97 : memref<1x128xi32, #tpu.memory_space<vmem>> -> memref<128xi32, #tpu.memory_space<vmem>>
      %dma_wait3A_99 = arith.constant 0 : i32
      %dma_wait3A_100 = arith.constant 0 : i32
      %dma_wait3A_101 = tpu.memref_slice %arg2[%dma_wait3A_99, %dma_wait3A_100] : memref<10112x128xf32, #tpu.memory_space<hbm>> -> memref<10112x128xf32, #tpu.memory_space<hbm>>
      tpu.wait_indirect_dma semaphore(%arg12 : memref<!tpu.dma_semaphore, #tpu.memory_space<semaphore_mem>>) src(%dma_wait3A_101 : memref<10112x128xf32, #tpu.memory_space<hbm>>) dst(%dma_wait3A_95 : memref<128x128xf32, #tpu.memory_space<vmem>>)
      %add3A_102 = arith.constant 1 : i32
      %add3A_103 = arith.addi %mul3A_70, %add3A_102 : i32
      %dma_start3A_104 = arith.constant 0 : i32
      %dma_start3A_105 = arith.constant 0 : i32
      %dma_start3A_106 = tpu.memref_slice %arg9[%scan3A_59, %dma_start3A_104, %dma_start3A_105] : memref<2x128x128xf32, #tpu.memory_space<vmem>> -> memref<1x128x128xf32, #tpu.memory_space<vmem>>
      %dma_start3A_107 = tpu.memref_squeeze %dma_start3A_106 : memref<1x128x128xf32, #tpu.memory_space<vmem>> -> memref<128x128xf32, #tpu.memory_space<vmem>>
      %dma_start3A_108 = arith.constant 0 : i32
      %dma_start3A_109 = tpu.memref_slice %arg8[%add3A_103, %dma_start3A_108] : memref<48x128xi32, #tpu.memory_space<vmem>> -> memref<1x128xi32, #tpu.memory_space<vmem>>
      %dma_start3A_110 = tpu.memref_squeeze %dma_start3A_109 : memref<1x128xi32, #tpu.memory_space<vmem>> -> memref<128xi32, #tpu.memory_space<vmem>>
      %dma_start3A_111 = arith.constant 0 : i32
      %dma_start3A_112 = arith.constant 0 : i32
      %dma_start3A_113 = tpu.memref_slice %arg10[%dma_start3A_111, %dma_start3A_112] : memref<10112x128xf32, #tpu.memory_space<vmem_shared>> -> memref<10112x128xf32, #tpu.memory_space<vmem_shared>>
      tpu.enqueue_indirect_dma source(%dma_start3A_107 : memref<128x128xf32, #tpu.memory_space<vmem>>) target(%dma_start3A_113 : memref<10112x128xf32, #tpu.memory_space<vmem_shared>>) offsets(%dma_start3A_110 : memref<128xi32, #tpu.memory_space<vmem>>) semaphore(%arg14 : memref<!tpu.dma_semaphore, #tpu.memory_space<semaphore_mem>>) {add = true}
      %dma_wait3A_114 = arith.constant 0 : i32
      %dma_wait3A_115 = arith.constant 0 : i32
      %dma_wait3A_116 = tpu.memref_slice %arg9[%scan3A_58, %dma_wait3A_114, %dma_wait3A_115] : memref<2x128x128xf32, #tpu.memory_space<vmem>> -> memref<1x128x128xf32, #tpu.memory_space<vmem>>
      %dma_wait3A_117 = tpu.memref_squeeze %dma_wait3A_116 : memref<1x128x128xf32, #tpu.memory_space<vmem>> -> memref<128x128xf32, #tpu.memory_space<vmem>>
      %dma_wait3A_118 = arith.constant 0 : i32
      %dma_wait3A_119 = tpu.memref_slice %arg8[%mul3A_70, %dma_wait3A_118] : memref<48x128xi32, #tpu.memory_space<vmem>> -> memref<1x128xi32, #tpu.memory_space<vmem>>
      %dma_wait3A_120 = tpu.memref_squeeze %dma_wait3A_119 : memref<1x128xi32, #tpu.memory_space<vmem>> -> memref<128xi32, #tpu.memory_space<vmem>>
      %dma_wait3A_121 = arith.constant 0 : i32
      %dma_wait3A_122 = arith.constant 0 : i32
      %dma_wait3A_123 = tpu.memref_slice %arg10[%dma_wait3A_121, %dma_wait3A_122] : memref<10112x128xf32, #tpu.memory_space<vmem_shared>> -> memref<10112x128xf32, #tpu.memory_space<vmem_shared>>
      tpu.wait_indirect_dma semaphore(%arg13 : memref<!tpu.dma_semaphore, #tpu.memory_space<semaphore_mem>>) src(%dma_wait3A_117 : memref<128x128xf32, #tpu.memory_space<vmem>>) dst(%dma_wait3A_123 : memref<10112x128xf32, #tpu.memory_space<vmem_shared>>)
      %lt3A = arith.constant 19 : i32
      %lt3A_124 = arith.cmpi slt, %scan3A_68, %lt3A : i32
      %convert_element_type3A = arith.extui %lt3A_124 : i1 to i32
      %cond3A = arith.constant 0 : i32
      %cond3A_125 = arith.cmpi ne, %convert_element_type3A, %cond3A : i32
      scf.if %cond3A_125 {
        %add3A_143 = arith.constant 2 : i32
        %add3A_144 = arith.addi %mul3A_70, %add3A_143 : i32
        %dma_start3A_145 = arith.constant 0 : i32
        %dma_start3A_146 = arith.constant 0 : i32
        %dma_start3A_147 = tpu.memref_slice %arg9[%scan3A_58, %dma_start3A_145, %dma_start3A_146] : memref<2x128x128xf32, #tpu.memory_space<vmem>> -> memref<1x128x128xf32, #tpu.memory_space<vmem>>
        %dma_start3A_148 = tpu.memref_squeeze %dma_start3A_147 : memref<1x128x128xf32, #tpu.memory_space<vmem>> -> memref<128x128xf32, #tpu.memory_space<vmem>>
        %dma_start3A_149 = arith.constant 0 : i32
        %dma_start3A_150 = tpu.memref_slice %arg7[%add3A_144, %dma_start3A_149] : memref<48x128xi32, #tpu.memory_space<vmem>> -> memref<1x128xi32, #tpu.memory_space<vmem>>
        %dma_start3A_151 = tpu.memref_squeeze %dma_start3A_150 : memref<1x128xi32, #tpu.memory_space<vmem>> -> memref<128xi32, #tpu.memory_space<vmem>>
        %dma_start3A_152 = arith.constant 0 : i32
        %dma_start3A_153 = arith.constant 0 : i32
        %dma_start3A_154 = tpu.memref_slice %arg2[%dma_start3A_152, %dma_start3A_153] : memref<10112x128xf32, #tpu.memory_space<hbm>> -> memref<10112x128xf32, #tpu.memory_space<hbm>>
        tpu.enqueue_indirect_dma source(%dma_start3A_154 : memref<10112x128xf32, #tpu.memory_space<hbm>>) target(%dma_start3A_148 : memref<128x128xf32, #tpu.memory_space<vmem>>) offsets(%dma_start3A_151 : memref<128xi32, #tpu.memory_space<vmem>>) semaphore(%arg11 : memref<!tpu.dma_semaphore, #tpu.memory_space<semaphore_mem>>)
      } else {
      }
      %add3A_126 = arith.constant 1 : i32
      %add3A_127 = arith.addi %mul3A_70, %add3A_126 : i32
      %dma_wait3A_128 = arith.constant 0 : i32
      %dma_wait3A_129 = arith.constant 0 : i32
      %dma_wait3A_130 = tpu.memref_slice %arg9[%scan3A_59, %dma_wait3A_128, %dma_wait3A_129] : memref<2x128x128xf32, #tpu.memory_space<vmem>> -> memref<1x128x128xf32, #tpu.memory_space<vmem>>
      %dma_wait3A_131 = tpu.memref_squeeze %dma_wait3A_130 : memref<1x128x128xf32, #tpu.memory_space<vmem>> -> memref<128x128xf32, #tpu.memory_space<vmem>>
      %dma_wait3A_132 = arith.constant 0 : i32
      %dma_wait3A_133 = tpu.memref_slice %arg8[%add3A_127, %dma_wait3A_132] : memref<48x128xi32, #tpu.memory_space<vmem>> -> memref<1x128xi32, #tpu.memory_space<vmem>>
      %dma_wait3A_134 = tpu.memref_squeeze %dma_wait3A_133 : memref<1x128xi32, #tpu.memory_space<vmem>> -> memref<128xi32, #tpu.memory_space<vmem>>
      %dma_wait3A_135 = arith.constant 0 : i32
      %dma_wait3A_136 = arith.constant 0 : i32
      %dma_wait3A_137 = tpu.memref_slice %arg10[%dma_wait3A_135, %dma_wait3A_136] : memref<10112x128xf32, #tpu.memory_space<vmem_shared>> -> memref<10112x128xf32, #tpu.memory_space<vmem_shared>>
      tpu.wait_indirect_dma semaphore(%arg14 : memref<!tpu.dma_semaphore, #tpu.memory_space<semaphore_mem>>) src(%dma_wait3A_131 : memref<128x128xf32, #tpu.memory_space<vmem>>) dst(%dma_wait3A_137 : memref<10112x128xf32, #tpu.memory_space<vmem_shared>>)
      %lt3A_138 = arith.constant 19 : i32
      %lt3A_139 = arith.cmpi slt, %scan3A_68, %lt3A_138 : i32
      %convert_element_type3A_140 = arith.extui %lt3A_139 : i1 to i32
      %cond3A_141 = arith.constant 0 : i32
      %cond3A_142 = arith.cmpi ne, %convert_element_type3A_140, %cond3A_141 : i32
      scf.if %cond3A_142 {
        %add3A_143 = arith.constant 3 : i32
        %add3A_144 = arith.addi %mul3A_70, %add3A_143 : i32
        %dma_start3A_145 = arith.constant 0 : i32
        %dma_start3A_146 = arith.constant 0 : i32
        %dma_start3A_147 = tpu.memref_slice %arg9[%scan3A_59, %dma_start3A_145, %dma_start3A_146] : memref<2x128x128xf32, #tpu.memory_space<vmem>> -> memref<1x128x128xf32, #tpu.memory_space<vmem>>
        %dma_start3A_148 = tpu.memref_squeeze %dma_start3A_147 : memref<1x128x128xf32, #tpu.memory_space<vmem>> -> memref<128x128xf32, #tpu.memory_space<vmem>>
        %dma_start3A_149 = arith.constant 0 : i32
        %dma_start3A_150 = tpu.memref_slice %arg7[%add3A_144, %dma_start3A_149] : memref<48x128xi32, #tpu.memory_space<vmem>> -> memref<1x128xi32, #tpu.memory_space<vmem>>
        %dma_start3A_151 = tpu.memref_squeeze %dma_start3A_150 : memref<1x128xi32, #tpu.memory_space<vmem>> -> memref<128xi32, #tpu.memory_space<vmem>>
        %dma_start3A_152 = arith.constant 0 : i32
        %dma_start3A_153 = arith.constant 0 : i32
        %dma_start3A_154 = tpu.memref_slice %arg2[%dma_start3A_152, %dma_start3A_153] : memref<10112x128xf32, #tpu.memory_space<hbm>> -> memref<10112x128xf32, #tpu.memory_space<hbm>>
        tpu.enqueue_indirect_dma source(%dma_start3A_154 : memref<10112x128xf32, #tpu.memory_space<hbm>>) target(%dma_start3A_148 : memref<128x128xf32, #tpu.memory_space<vmem>>) offsets(%dma_start3A_151 : memref<128xi32, #tpu.memory_space<vmem>>) semaphore(%arg12 : memref<!tpu.dma_semaphore, #tpu.memory_space<semaphore_mem>>)
      } else {
      }
    }
    %scan3A_64 = arith.constant 20 : i32
    %barrier3A_65 = arith.constant 0 : index
    tpu.barrier barrier_id(%barrier3A_65)
    %mul3A_66 = arith.constant 632 : i32
    %mul3A_67 = arith.muli %arg1, %mul3A_66 : i32
    "tpu.region"() ({
      %run_scoped3A = tpu.sem_alloc : memref<!tpu.dma_semaphore, #tpu.memory_space<semaphore_mem>>
      %dma_start3A_68 = arith.constant 0 : i32
      %dma_start3A_69 = tpu.memref_slice %arg6[%arg0, %mul3A_67, %dma_start3A_68] : memref<2x10112x128xf32, #tpu.memory_space<hbm>> -> memref<1x632x128xf32, #tpu.memory_space<hbm>>
      %dma_start3A_70 = tpu.memref_squeeze %dma_start3A_69 : memref<1x632x128xf32, #tpu.memory_space<hbm>> -> memref<632x128xf32, #tpu.memory_space<hbm>>
      %dma_start3A_71 = arith.constant 0 : i32
      %dma_start3A_72 = tpu.memref_slice %arg10[%mul3A_67, %dma_start3A_71] : memref<10112x128xf32, #tpu.memory_space<vmem_shared>> -> memref<632x128xf32, #tpu.memory_space<vmem_shared>>
      tpu.enqueue_dma source(%dma_start3A_72 : memref<632x128xf32, #tpu.memory_space<vmem_shared>>) target(%dma_start3A_70 : memref<632x128xf32, #tpu.memory_space<hbm>>) target_semaphore(%run_scoped3A : memref<!tpu.dma_semaphore, #tpu.memory_space<semaphore_mem>>)
      %dma_wait3A = arith.constant 0 : i32
      %dma_wait3A_73 = tpu.memref_slice %arg6[%arg0, %mul3A_67, %dma_wait3A] : memref<2x10112x128xf32, #tpu.memory_space<hbm>> -> memref<1x632x128xf32, #tpu.memory_space<hbm>>
      %dma_wait3A_74 = tpu.memref_squeeze %dma_wait3A_73 : memref<1x632x128xf32, #tpu.memory_space<hbm>> -> memref<632x128xf32, #tpu.memory_space<hbm>>
      %dma_wait3A_75 = arith.constant 0 : i32
      %dma_wait3A_76 = tpu.memref_slice %arg10[%mul3A_67, %dma_wait3A_75] : memref<10112x128xf32, #tpu.memory_space<vmem_shared>> -> memref<632x128xf32, #tpu.memory_space<vmem_shared>>
      tpu.wait_dma2 semaphore(%run_scoped3A : memref<!tpu.dma_semaphore, #tpu.memory_space<semaphore_mem>>) src(%dma_wait3A_76 : memref<632x128xf32, #tpu.memory_space<vmem_shared>>) dst(%dma_wait3A_74 : memref<632x128xf32, #tpu.memory_space<hbm>>)
      tpu.yield
    }) : () -> ()
    return
  }
}

module attributes {stable_mosaic.version = 14 : i64} {
  func.func @_dense2_body(%arg0: memref<2x10112x128xf32, #tpu.memory_space<vmem>>, %arg1: memref<2x10112x128xf32, #tpu.memory_space<vmem>>, %arg2: memref<128x128xf32, #tpu.memory_space<vmem>>, %arg3: memref<128xf32, #tpu.memory_space<vmem>>, %arg4: memref<10112x128xf32, #tpu.memory_space<vmem>>) attributes {dimension_semantics = [], scalar_prefetch = 0 : i64, scratch_operands = 0 : i64, tpu.core_type = #tpu.core_type<tc>} {
    %get3A = arith.constant 0 : index
    %get3A_0 = arith.constant 0 : index
    %get3A_1 = arith.constant 0 : index
    %get3A_2 = vector.load %arg1[%get3A, %get3A_0, %get3A_1] : memref<2x10112x128xf32, #tpu.memory_space<vmem>>, vector<2x10112x128xf32>
    %slice3A = vector.extract_strided_slice %get3A_2 {offsets = [0, 0, 0], sizes = [1, 10112, 128], strides = [1, 1, 1]} : vector<2x10112x128xf32> to vector<1x10112x128xf32>
    %squeeze3A = vector.shape_cast %slice3A : vector<1x10112x128xf32> to vector<10112x128xf32>
    %slice3A_3 = vector.extract_strided_slice %squeeze3A {offsets = [0, 0], sizes = [10112, 1], strides = [1, 1]} : vector<10112x128xf32> to vector<10112x1xf32>
    %slice3A_4 = vector.extract_strided_slice %get3A_2 {offsets = [1, 0, 0], sizes = [1, 10112, 128], strides = [1, 1, 1]} : vector<2x10112x128xf32> to vector<1x10112x128xf32>
    %squeeze3A_5 = vector.shape_cast %slice3A_4 : vector<1x10112x128xf32> to vector<10112x128xf32>
    %slice3A_6 = vector.extract_strided_slice %squeeze3A_5 {offsets = [0, 0], sizes = [10112, 1], strides = [1, 1]} : vector<10112x128xf32> to vector<10112x1xf32>
    %add3A = arith.addf %slice3A_3, %slice3A_6 : vector<10112x1xf32>
    %max3A = arith.constant 1.000000e+00 : f32
    %max3A_7 = vector.broadcast %max3A : f32 to vector<10112x1xf32>
    %max3A_8 = arith.maximumf %add3A, %max3A_7 : vector<10112x1xf32>
    %rsqrt3A = math.rsqrt %max3A_8 : vector<10112x1xf32>
    %get3A_9 = arith.constant 0 : index
    %get3A_10 = arith.constant 0 : index
    %get3A_11 = arith.constant 0 : index
    %get3A_12 = vector.load %arg0[%get3A_9, %get3A_10, %get3A_11] : memref<2x10112x128xf32, #tpu.memory_space<vmem>>, vector<1x10112x128xf32>
    %get3A_13 = vector.shape_cast %get3A_12 : vector<1x10112x128xf32> to vector<10112x128xf32>
    %get3A_14 = arith.constant 1 : index
    %get3A_15 = arith.constant 0 : index
    %get3A_16 = arith.constant 0 : index
    %get3A_17 = vector.load %arg0[%get3A_14, %get3A_15, %get3A_16] : memref<2x10112x128xf32, #tpu.memory_space<vmem>>, vector<1x10112x128xf32>
    %get3A_18 = vector.shape_cast %get3A_17 : vector<1x10112x128xf32> to vector<10112x128xf32>
    %add3A_19 = arith.addf %get3A_13, %get3A_18 : vector<10112x128xf32>
    %mul3A = vector.broadcast %rsqrt3A : vector<10112x1xf32> to vector<10112x128xf32>
    %mul3A_20 = arith.mulf %add3A_19, %mul3A : vector<10112x128xf32>
    %max3A_21 = arith.constant 0.000000e+00 : f32
    %max3A_22 = vector.broadcast %max3A_21 : f32 to vector<10112x128xf32>
    %max3A_23 = arith.maximumf %mul3A_20, %max3A_22 : vector<10112x128xf32>
    %mul3A_24 = arith.mulf %max3A_23, %max3A_23 : vector<10112x128xf32>
    %reduce_sum3A = arith.constant dense<0.000000e+00> : vector<10112xf32>
    %reduce_sum3A_25 = vector.multi_reduction <add>, %mul3A_24, %reduce_sum3A [1] : vector<10112x128xf32> to vector<10112xf32>
    %broadcast_in_dim3A = vector.shape_cast %reduce_sum3A_25 : vector<10112xf32> to vector<10112x1xf32>
    %sqrt3A = math.sqrt %broadcast_in_dim3A : vector<10112x1xf32>
    %max3A_26 = arith.constant 1.000000e-07 : f32
    %max3A_27 = vector.broadcast %max3A_26 : f32 to vector<10112x1xf32>
    %max3A_28 = arith.maximumf %sqrt3A, %max3A_27 : vector<10112x1xf32>
    %tanh3A = math.tanh %max3A_28 : vector<10112x1xf32>
    %mul3A_29 = vector.broadcast %tanh3A : vector<10112x1xf32> to vector<10112x128xf32>
    %mul3A_30 = arith.mulf %mul3A_29, %max3A_23 : vector<10112x128xf32>
    %div3A = vector.broadcast %max3A_28 : vector<10112x1xf32> to vector<10112x128xf32>
    %div3A_31 = arith.divf %mul3A_30, %div3A : vector<10112x128xf32>
    %mul3A_32 = arith.mulf %div3A_31, %div3A_31 : vector<10112x128xf32>
    %reduce_sum3A_33 = arith.constant dense<0.000000e+00> : vector<10112xf32>
    %reduce_sum3A_34 = vector.multi_reduction <add>, %mul3A_32, %reduce_sum3A_33 [1] : vector<10112x128xf32> to vector<10112xf32>
    %broadcast_in_dim3A_35 = vector.shape_cast %reduce_sum3A_34 : vector<10112xf32> to vector<10112x1xf32>
    %max3A_36 = arith.constant 0.000000e+00 : f32
    %max3A_37 = vector.broadcast %max3A_36 : f32 to vector<10112x1xf32>
    %max3A_38 = arith.maximumf %broadcast_in_dim3A_35, %max3A_37 : vector<10112x1xf32>
    %sqrt3A_39 = math.sqrt %max3A_38 : vector<10112x1xf32>
    %jit3A = arith.constant 1.000000e-07 : f32
    %jit3A_40 = arith.constant 0.999989986 : f32
    %max3A_41 = vector.broadcast %jit3A : f32 to vector<10112x1xf32>
    %max3A_42 = arith.maximumf %max3A_41, %sqrt3A_39 : vector<10112x1xf32>
    %min3A = vector.broadcast %jit3A_40 : f32 to vector<10112x1xf32>
    %min3A_43 = arith.minimumf %min3A, %max3A_42 : vector<10112x1xf32>
    %add3A_44 = arith.constant 1.000000e+00 : f32
    %add3A_45 = vector.broadcast %add3A_44 : f32 to vector<10112x1xf32>
    %add3A_46 = arith.addf %add3A_45, %min3A_43 : vector<10112x1xf32>
    %sub3A = arith.constant 1.000000e+00 : f32
    %sub3A_47 = vector.broadcast %sub3A : f32 to vector<10112x1xf32>
    %sub3A_48 = arith.subf %sub3A_47, %min3A_43 : vector<10112x1xf32>
    %div3A_49 = arith.divf %add3A_46, %sub3A_48 : vector<10112x1xf32>
    %log3A = math.log %div3A_49 : vector<10112x1xf32>
    %mul3A_50 = arith.constant 5.000000e-01 : f32
    %mul3A_51 = vector.broadcast %mul3A_50 : f32 to vector<10112x1xf32>
    %mul3A_52 = arith.mulf %mul3A_51, %log3A : vector<10112x1xf32>
    %div3A_53 = arith.divf %mul3A_52, %min3A_43 : vector<10112x1xf32>
    %mul3A_54 = vector.broadcast %div3A_53 : vector<10112x1xf32> to vector<10112x128xf32>
    %mul3A_55 = arith.mulf %mul3A_54, %div3A_31 : vector<10112x128xf32>
    %get3A_56 = arith.constant 0 : index
    %get3A_57 = arith.constant 0 : index
    %get3A_58 = vector.load %arg2[%get3A_56, %get3A_57] : memref<128x128xf32, #tpu.memory_space<vmem>>, vector<128x128xf32>
    %dot_general3A = arith.constant dense<0.000000e+00> : vector<10112x128xf32>
    %dot_general3A_59 = tpu.matmul %mul3A_55, %get3A_58, %dot_general3A {dimension_numbers = #tpu.dot_dimension_numbers<[1], [0], [0], [1], [0, 0, 1, 1], [], []>, transpose_lhs_hint = false} : vector<10112x128xf32>, vector<128x128xf32>, vector<10112x128xf32> -> vector<10112x128xf32>
    %get3A_60 = arith.constant 0 : index
    %get3A_61 = vector.load %arg3[%get3A_60] : memref<128xf32, #tpu.memory_space<vmem>>, vector<128xf32>
    %broadcast_in_dim3A_62 = vector.shape_cast %get3A_61 : vector<128xf32> to vector<1x128xf32>
    %add3A_63 = vector.broadcast %broadcast_in_dim3A_62 : vector<1x128xf32> to vector<10112x128xf32>
    %add3A_64 = arith.addf %dot_general3A_59, %add3A_63 : vector<10112x128xf32>
    %mul3A_65 = vector.broadcast %rsqrt3A : vector<10112x1xf32> to vector<10112x128xf32>
    %mul3A_66 = arith.mulf %add3A_64, %mul3A_65 : vector<10112x128xf32>
    %swap3A = arith.constant 0 : index
    %swap3A_67 = arith.constant 0 : index
    %swap3A_68 = vector.load %arg4[%swap3A, %swap3A_67] : memref<10112x128xf32, #tpu.memory_space<vmem>>, vector<10112x128xf32>
    tpu.vector_store %arg4[%swap3A, %swap3A_67], %mul3A_66 {strides = array<i32>} : memref<10112x128xf32, #tpu.memory_space<vmem>>, vector<10112x128xf32>,
    return
  }
}

module attributes {stable_mosaic.version = 14 : i64} {
  func.func @_dense1_body(%arg0: memref<10112x128xf32, #tpu.memory_space<vmem>>, %arg1: memref<128x128xf32, #tpu.memory_space<vmem>>, %arg2: memref<128xf32, #tpu.memory_space<vmem>>, %arg3: memref<2x10112x128xf32, #tpu.memory_space<vmem>>, %arg4: memref<10112x128xf32, #tpu.memory_space<vmem>>) attributes {dimension_semantics = [], scalar_prefetch = 0 : i64, scratch_operands = 0 : i64, tpu.core_type = #tpu.core_type<tc>} {
    %get3A = arith.constant 0 : index
    %get3A_0 = arith.constant 0 : index
    %get3A_1 = vector.load %arg0[%get3A, %get3A_0] : memref<10112x128xf32, #tpu.memory_space<vmem>>, vector<10112x128xf32>
    %slice3A = vector.extract_strided_slice %get3A_1 {offsets = [0, 0], sizes = [10112, 1], strides = [1, 1]} : vector<10112x128xf32> to vector<10112x1xf32>
    %add3A = arith.constant 1.000000e+00 : f32
    %add3A_2 = vector.broadcast %add3A : f32 to vector<10112x1xf32>
    %add3A_3 = arith.addf %add3A_2, %slice3A : vector<10112x1xf32>
    %div3A = vector.broadcast %add3A_3 : vector<10112x1xf32> to vector<10112x128xf32>
    %div3A_4 = arith.divf %get3A_1, %div3A : vector<10112x128xf32>
    %mul3A = arith.mulf %div3A_4, %div3A_4 : vector<10112x128xf32>
    %reduce_sum3A = arith.constant dense<0.000000e+00> : vector<10112xf32>
    %reduce_sum3A_5 = vector.multi_reduction <add>, %mul3A, %reduce_sum3A [1] : vector<10112x128xf32> to vector<10112xf32>
    %broadcast_in_dim3A = vector.shape_cast %reduce_sum3A_5 : vector<10112xf32> to vector<10112x1xf32>
    %slice3A_6 = vector.extract_strided_slice %div3A_4 {offsets = [0, 0], sizes = [10112, 1], strides = [1, 1]} : vector<10112x128xf32> to vector<10112x1xf32>
    %integer_pow3A = arith.mulf %slice3A_6, %slice3A_6 : vector<10112x1xf32>
    %sub3A = arith.subf %broadcast_in_dim3A, %integer_pow3A : vector<10112x1xf32>
    %max3A = arith.constant 0.000000e+00 : f32
    %max3A_7 = vector.broadcast %max3A : f32 to vector<10112x1xf32>
    %max3A_8 = arith.maximumf %sub3A, %max3A_7 : vector<10112x1xf32>
    %sqrt3A = math.sqrt %max3A_8 : vector<10112x1xf32>
    %jit3A = arith.constant 1.000000e-07 : f32
    %jit3A_9 = arith.constant 0.999989986 : f32
    %max3A_10 = vector.broadcast %jit3A : f32 to vector<10112x1xf32>
    %max3A_11 = arith.maximumf %max3A_10, %sqrt3A : vector<10112x1xf32>
    %min3A = vector.broadcast %jit3A_9 : f32 to vector<10112x1xf32>
    %min3A_12 = arith.minimumf %min3A, %max3A_11 : vector<10112x1xf32>
    %add3A_13 = arith.constant 1.000000e+00 : f32
    %add3A_14 = vector.broadcast %add3A_13 : f32 to vector<10112x1xf32>
    %add3A_15 = arith.addf %add3A_14, %min3A_12 : vector<10112x1xf32>
    %sub3A_16 = arith.constant 1.000000e+00 : f32
    %sub3A_17 = vector.broadcast %sub3A_16 : f32 to vector<10112x1xf32>
    %sub3A_18 = arith.subf %sub3A_17, %min3A_12 : vector<10112x1xf32>
    %div3A_19 = arith.divf %add3A_15, %sub3A_18 : vector<10112x1xf32>
    %log3A = math.log %div3A_19 : vector<10112x1xf32>
    %mul3A_20 = arith.constant 5.000000e-01 : f32
    %mul3A_21 = vector.broadcast %mul3A_20 : f32 to vector<10112x1xf32>
    %mul3A_22 = arith.mulf %mul3A_21, %log3A : vector<10112x1xf32>
    %div3A_23 = arith.divf %mul3A_22, %min3A_12 : vector<10112x1xf32>
    %get3A_24 = arith.constant 0 : index
    %get3A_25 = arith.constant 0 : index
    %get3A_26 = vector.load %arg1[%get3A_24, %get3A_25] : memref<128x128xf32, #tpu.memory_space<vmem>>, vector<128x128xf32>
    %dot_general3A = arith.constant dense<0.000000e+00> : vector<10112x128xf32>
    %dot_general3A_27 = tpu.matmul %div3A_4, %get3A_26, %dot_general3A {dimension_numbers = #tpu.dot_dimension_numbers<[1], [0], [0], [1], [0, 0, 1, 1], [], []>, transpose_lhs_hint = false} : vector<10112x128xf32>, vector<128x128xf32>, vector<10112x128xf32> -> vector<10112x128xf32>
    %mul3A_28 = vector.broadcast %div3A_23 : vector<10112x1xf32> to vector<10112x128xf32>
    %mul3A_29 = arith.mulf %mul3A_28, %dot_general3A_27 : vector<10112x128xf32>
    %get3A_30 = arith.constant 0 : index
    %get3A_31 = vector.load %arg2[%get3A_30] : memref<128xf32, #tpu.memory_space<vmem>>, vector<128xf32>
    %broadcast_in_dim3A_32 = vector.shape_cast %get3A_31 : vector<128xf32> to vector<1x128xf32>
    %add3A_33 = vector.broadcast %broadcast_in_dim3A_32 : vector<1x128xf32> to vector<10112x128xf32>
    %add3A_34 = arith.addf %mul3A_29, %add3A_33 : vector<10112x128xf32>
    %get3A_35 = arith.constant 0 : index
    %get3A_36 = arith.constant 0 : index
    %get3A_37 = arith.constant 0 : index
    %get3A_38 = vector.load %arg3[%get3A_35, %get3A_36, %get3A_37] : memref<2x10112x128xf32, #tpu.memory_space<vmem>>, vector<2x10112x128xf32>
    %slice3A_39 = vector.extract_strided_slice %get3A_38 {offsets = [0, 0, 0], sizes = [1, 10112, 128], strides = [1, 1, 1]} : vector<2x10112x128xf32> to vector<1x10112x128xf32>
    %squeeze3A = vector.shape_cast %slice3A_39 : vector<1x10112x128xf32> to vector<10112x128xf32>
    %slice3A_40 = vector.extract_strided_slice %squeeze3A {offsets = [0, 0], sizes = [10112, 1], strides = [1, 1]} : vector<10112x128xf32> to vector<10112x1xf32>
    %slice3A_41 = vector.extract_strided_slice %get3A_38 {offsets = [1, 0, 0], sizes = [1, 10112, 128], strides = [1, 1, 1]} : vector<2x10112x128xf32> to vector<1x10112x128xf32>
    %squeeze3A_42 = vector.shape_cast %slice3A_41 : vector<1x10112x128xf32> to vector<10112x128xf32>
    %slice3A_43 = vector.extract_strided_slice %squeeze3A_42 {offsets = [0, 0], sizes = [10112, 1], strides = [1, 1]} : vector<10112x128xf32> to vector<10112x1xf32>
    %add3A_44 = arith.addf %slice3A_40, %slice3A_43 : vector<10112x1xf32>
    %max3A_45 = arith.constant 1.000000e+00 : f32
    %max3A_46 = vector.broadcast %max3A_45 : f32 to vector<10112x1xf32>
    %max3A_47 = arith.maximumf %add3A_44, %max3A_46 : vector<10112x1xf32>
    %rsqrt3A = math.rsqrt %max3A_47 : vector<10112x1xf32>
    %mul3A_48 = vector.broadcast %rsqrt3A : vector<10112x1xf32> to vector<10112x128xf32>
    %mul3A_49 = arith.mulf %add3A_34, %mul3A_48 : vector<10112x128xf32>
    %swap3A = arith.constant 0 : index
    %swap3A_50 = arith.constant 0 : index
    %swap3A_51 = vector.load %arg4[%swap3A, %swap3A_50] : memref<10112x128xf32, #tpu.memory_space<vmem>>, vector<10112x128xf32>
    tpu.vector_store %arg4[%swap3A, %swap3A_50], %mul3A_49 {strides = array<i32>} : memref<10112x128xf32, #tpu.memory_space<vmem>>, vector<10112x128xf32>,
    return
  }
}

module attributes {stable_mosaic.version = 14 : i64} {
  func.func @_dense3_body(%arg0: memref<2x10112x128xf32, #tpu.memory_space<vmem>>, %arg1: memref<2x10112x128xf32, #tpu.memory_space<vmem>>, %arg2: memref<10112x128xf32, #tpu.memory_space<vmem>>) attributes {dimension_semantics = [], scalar_prefetch = 0 : i64, scratch_operands = 0 : i64, tpu.core_type = #tpu.core_type<tc>} {
    %get3A = arith.constant 0 : index
    %get3A_0 = arith.constant 0 : index
    %get3A_1 = arith.constant 0 : index
    %get3A_2 = vector.load %arg1[%get3A, %get3A_0, %get3A_1] : memref<2x10112x128xf32, #tpu.memory_space<vmem>>, vector<2x10112x128xf32>
    %slice3A = vector.extract_strided_slice %get3A_2 {offsets = [0, 0, 0], sizes = [1, 10112, 128], strides = [1, 1, 1]} : vector<2x10112x128xf32> to vector<1x10112x128xf32>
    %squeeze3A = vector.shape_cast %slice3A : vector<1x10112x128xf32> to vector<10112x128xf32>
    %slice3A_3 = vector.extract_strided_slice %squeeze3A {offsets = [0, 0], sizes = [10112, 1], strides = [1, 1]} : vector<10112x128xf32> to vector<10112x1xf32>
    %slice3A_4 = vector.extract_strided_slice %get3A_2 {offsets = [1, 0, 0], sizes = [1, 10112, 128], strides = [1, 1, 1]} : vector<2x10112x128xf32> to vector<1x10112x128xf32>
    %squeeze3A_5 = vector.shape_cast %slice3A_4 : vector<1x10112x128xf32> to vector<10112x128xf32>
    %slice3A_6 = vector.extract_strided_slice %squeeze3A_5 {offsets = [0, 0], sizes = [10112, 1], strides = [1, 1]} : vector<10112x128xf32> to vector<10112x1xf32>
    %add3A = arith.addf %slice3A_3, %slice3A_6 : vector<10112x1xf32>
    %max3A = arith.constant 1.000000e+00 : f32
    %max3A_7 = vector.broadcast %max3A : f32 to vector<10112x1xf32>
    %max3A_8 = arith.maximumf %add3A, %max3A_7 : vector<10112x1xf32>
    %rsqrt3A = math.rsqrt %max3A_8 : vector<10112x1xf32>
    %get3A_9 = arith.constant 0 : index
    %get3A_10 = arith.constant 0 : index
    %get3A_11 = arith.constant 0 : index
    %get3A_12 = vector.load %arg0[%get3A_9, %get3A_10, %get3A_11] : memref<2x10112x128xf32, #tpu.memory_space<vmem>>, vector<1x10112x128xf32>
    %get3A_13 = vector.shape_cast %get3A_12 : vector<1x10112x128xf32> to vector<10112x128xf32>
    %get3A_14 = arith.constant 1 : index
    %get3A_15 = arith.constant 0 : index
    %get3A_16 = arith.constant 0 : index
    %get3A_17 = vector.load %arg0[%get3A_14, %get3A_15, %get3A_16] : memref<2x10112x128xf32, #tpu.memory_space<vmem>>, vector<1x10112x128xf32>
    %get3A_18 = vector.shape_cast %get3A_17 : vector<1x10112x128xf32> to vector<10112x128xf32>
    %add3A_19 = arith.addf %get3A_13, %get3A_18 : vector<10112x128xf32>
    %mul3A = vector.broadcast %rsqrt3A : vector<10112x1xf32> to vector<10112x128xf32>
    %mul3A_20 = arith.mulf %add3A_19, %mul3A : vector<10112x128xf32>
    %max3A_21 = arith.constant 0.000000e+00 : f32
    %max3A_22 = vector.broadcast %max3A_21 : f32 to vector<10112x128xf32>
    %max3A_23 = arith.maximumf %mul3A_20, %max3A_22 : vector<10112x128xf32>
    %mul3A_24 = arith.mulf %max3A_23, %max3A_23 : vector<10112x128xf32>
    %reduce_sum3A = arith.constant dense<0.000000e+00> : vector<10112xf32>
    %reduce_sum3A_25 = vector.multi_reduction <add>, %mul3A_24, %reduce_sum3A [1] : vector<10112x128xf32> to vector<10112xf32>
    %broadcast_in_dim3A = vector.shape_cast %reduce_sum3A_25 : vector<10112xf32> to vector<10112x1xf32>
    %sqrt3A = math.sqrt %broadcast_in_dim3A : vector<10112x1xf32>
    %max3A_26 = arith.constant 1.000000e-07 : f32
    %max3A_27 = vector.broadcast %max3A_26 : f32 to vector<10112x1xf32>
    %max3A_28 = arith.maximumf %sqrt3A, %max3A_27 : vector<10112x1xf32>
    %tanh3A = math.tanh %max3A_28 : vector<10112x1xf32>
    %mul3A_29 = vector.broadcast %tanh3A : vector<10112x1xf32> to vector<10112x128xf32>
    %mul3A_30 = arith.mulf %mul3A_29, %max3A_23 : vector<10112x128xf32>
    %div3A = vector.broadcast %max3A_28 : vector<10112x1xf32> to vector<10112x128xf32>
    %div3A_31 = arith.divf %mul3A_30, %div3A : vector<10112x128xf32>
    %swap3A = arith.constant 0 : index
    %swap3A_32 = arith.constant 0 : index
    %swap3A_33 = vector.load %arg2[%swap3A, %swap3A_32] : memref<10112x128xf32, #tpu.memory_space<vmem>>, vector<10112x128xf32>
    tpu.vector_store %arg2[%swap3A, %swap3A_32], %div3A_31 {strides = array<i32>} : memref<10112x128xf32, #tpu.memory_space<vmem>>, vector<10112x128xf32>,
    return
  }
}

</mosaic_0001>

<sc_bundles>
// kernel: kernel.11.cloned.1.call-start
scs
__scs_entry_jumppad:
0x0: {  	(pc) =	sbr.rel $0x88, $3  }
0x1: {  	(tag) =	ssettag $0x0;
	lr =	simm.s32 $0x1  }
0x2: {  	[smem:$0x3F9B] =	sst lr;
	_ =	strace $0xD0000000  }
0x3: {  	_ = 	snop  }
0x4: {  	_ = 	snop  }
0x5: {  	_ = 	snop  }
0x6: {  	_ = 	snop  }
0x7: {  	_ = 	snop  }
__scs_overlays_trampoline_lowered:
0x8: {  	[smem:$0x3FAA] =	sst s0  }
0x9: {  	[smem:$0x3FAB] =	sst s1  }
0xa: {  	[smem:$0x3FAC] =	sst s2  }
0xb: {  	[smem:$0x3FAD] =	sst s3  }
0xc: {  	[smem:$0x3FAE] =	sst s4  }
0xd: {  	[smem:$0x3FAF] =	sst s5  }
0xe: {  	[smem:$0x3FB0] =	sst s6  }
0xf: {  	[smem:$0x3FB1] =	sst s7  }
0x10: {  	[smem:$0x3FB2] =	sst s8  }
0x11: {  	[smem:$0x3FB3] =	sst s9;
	s0 =	simm.s32 @!p0 $0x0  }
0x12: {  	s1 =	sld [smem:$0x3F99];
	s0 =	simm.s32 @p0 $0x1  }
0x13: {  	[smem:$0x3FB4] =	sst s0;
	s0 =	simm.s32 @!p1 $0x0  }
0x14: {  	s2 =	sld [smem:$0x3F98];
	s0 =	simm.s32 @p1 $0x1  }
0x15: {  	[smem:$0x3FB5] =	sst s0;
	s0 =	simm.s32 @!p2 $0x0  }
0x16: {  	s3 =	sld [smem:$0x3FDB];
	s0 =	simm.s32 @p2 $0x1  }
0x17: {  	s4 =	simm.s32 $0x1BF5;
	[smem:$0x3FB7] =	sst s0  }
0x18: {  	s0 =	sld [smem:$0x3F9A];
	_ =	swait.ge [sflag:s4], $0x0  }
0x19: {  	s7 =	sld [smem:$0x3F9B]  }
0x1a: {  	s8 =	sadd.s32 $0xFFFFE003, lr  }
0x1b: {  	s9 =	sadd.s32 $0xFFFFFEF7, lr;
	s5 =	simm.s32 $0xFFFFFFFF;
	p2 =	slt.u32 s8, $0xFFFFF086  }
0x1c: {  	p1 =	slt.u32 s9, $0xF7A;
	s5 =	simm.s32 @!p2 $0x0  }
0x1d: {  	s5 =	simm.s32 @p1 $0x1;
	p0 =	seq.s32 s7, s2  }
0x1e: {  	s7 =	smul.u32 @!p0 $0xF7A, s2;
	p2 =	seq.s32 @!p0 s5, $0x0  }
0x1f: {  	s9 =	smul.u32 $0xF7A, s1;
	s8 =	simm.s32 @!p0 $0x1BF5;
	p2 =	por !p2, p0  }
0x20: {  	[sflag:s8] =	ssyncset.s32 @!p0 $0xFFFFF086;
	s6 =	sadd.s32 @!p0 s3, s7;
	s7 =	simm.s32 @!p0 $0x108  }
0x21: {  	s3 =	sadd.s32 s3, s9;
	s6 =	sadd.s32 @!p0 $0x88, s6;
	s7 =	simm.s32 @p2 $0x1082  }
0x22: {  	[simem:s7], [sflag:s8] =	dma.local @!p0 [hbm:s6], $0xF7A  }
0x23: {  	s9 =	sor.u32 $0xD0000000, s2;
	s6 =	simm.s32 $0x108;
	_ =	swait.ge @!p0 [sflag:s8], $0x0  }
0x24: {  	s3 =	sadd.s32 $0x88, s3;
	s6 =	simm.s32 @!p1 $0x1082;
	[sflag:s4] =	ssyncset.s32 $0xFFFFF086  }
0x25: {  	[simem:s6], [sflag:s4] =	dma.local [hbm:s3], $0xF7A  }
0x26: {  	[smem:$0x3F9B] =	sst s1;
	(tag) =	ssettag s2;
	_ =	strace s9  }
0x27: {  	s1 =	sld [smem:$0x3FAB]  }
0x28: {  	s2 =	sld [smem:$0x3FAC]  }
0x29: {  	s4 =	sld [smem:$0x3FAE]  }
0x2a: {  	p0 =	seq.s32 s5, $0x0;
	s5 =	sld [smem:$0x3FAF]  }
0x2b: {  	s6 =	sld [smem:$0x3FB0]  }
0x2c: {  	s7 =	sld [smem:$0x3FB1]  }
0x2d: {  	s3 =	simm.s32 $0x108;
	s8 =	sld [smem:$0x3FB2]  }
0x2e: {  	s3 =	simm.s32 @!p0 $0x1082;
	s9 =	sld [smem:$0x3FB3]  }
0x2f: {  	lr =	sadd.s32 s0, s3;
	s0 =	sld [smem:$0x3FAA]  }
0x30: {  	s3 =	sld [smem:$0x3FAD]  }
0x31: {  	[smem:$0x3FB6] =	sst s10  }
0x32: {  	s10 =	sld [smem:$0x3FB4];
	_ =	sdelay $0x3  }
0x33: {  	p0 =	seq.s32 s10, $0x1;
	s10 =	sld [smem:$0x3FB6];
	_ =	sdelay $0x3  }
0x34: {  	[smem:$0x3FB6] =	sst s10  }
0x35: {  	s10 =	sld [smem:$0x3FB5];
	_ =	sdelay $0x3  }
0x36: {  	p1 =	seq.s32 s10, $0x1;
	s10 =	sld [smem:$0x3FB6];
	_ =	sdelay $0x3  }
0x37: {  	[smem:$0x3FB6] =	sst s10  }
0x38: {  	s10 =	sld [smem:$0x3FB7]  }
0x39: {  	_ = 	snop;
	(pc) =	sbr.ind lr, $3  }
0x3a: {  	_ = 	snop  }
0x3b: {  	_ = 	snop  }
0x3c: {  	p2 =	seq.s32 s10, $0x1;
	s10 =	sld [smem:$0x3FB6]  }
0x3d: {  	_ =	shalt  }
0x3e: {  	_ =	shalt  }
0x3f: {  	_ =	shalt  }
0x40: {  	_ =	shalt  }
0x41: {  	_ =	shalt  }
0x42: {  	_ =	shalt  }
0x43: {  	_ =	shalt  }
0x44: {  	_ =	shalt  }
0x45: {  	_ =	shalt  }
0x46: {  	_ =	shalt  }
0x47: {  	_ =	shalt  }
0x48: {  	_ =	shalt  }
0x49: {  	_ =	shalt  }
0x4a: {  	_ =	shalt  }
0x4b: {  	_ =	shalt  }
0x4c: {  	_ =	shalt  }
0x4d: {  	_ =	shalt  }
0x4e: {  	_ =	shalt  }
0x4f: {  	_ =	shalt  }
0x50: {  	_ =	shalt  }
0x51: {  	_ =	shalt  }
0x52: {  	_ =	shalt  }
0x53: {  	_ =	shalt  }
0x54: {  	_ =	shalt  }
0x55: {  	_ =	shalt  }
0x56: {  	_ =	shalt  }
0x57: {  	_ =	shalt  }
0x58: {  	_ =	shalt  }
0x59: {  	_ =	shalt  }
0x5a: {  	_ =	shalt  }
0x5b: {  	_ =	shalt  }
0x5c: {  	_ =	shalt  }
0x5d: {  	_ =	shalt  }
0x5e: {  	_ =	shalt  }
0x5f: {  	_ =	shalt  }
0x60: {  	_ =	shalt  }
0x61: {  	_ =	shalt  }
0x62: {  	_ =	shalt  }
0x63: {  	_ =	shalt  }
0x64: {  	_ =	shalt  }
0x65: {  	_ =	shalt  }
0x66: {  	_ =	shalt  }
0x67: {  	_ =	shalt  }
0x68: {  	_ =	shalt  }
0x69: {  	_ =	shalt  }
0x6a: {  	_ =	shalt  }
0x6b: {  	_ =	shalt  }
0x6c: {  	_ =	shalt  }
0x6d: {  	_ =	shalt  }
0x6e: {  	_ =	shalt  }
0x6f: {  	_ =	shalt  }
0x70: {  	_ =	shalt  }
0x71: {  	_ =	shalt  }
0x72: {  	_ =	shalt  }
0x73: {  	_ =	shalt  }
0x74: {  	_ =	shalt  }
0x75: {  	_ =	shalt  }
0x76: {  	_ =	shalt  }
0x77: {  	_ =	shalt  }
0x78: {  	_ =	shalt  }
0x79: {  	_ =	shalt  }
0x7a: {  	_ =	shalt  }
0x7b: {  	_ =	shalt  }
0x7c: {  	_ =	shalt  }
0x7d: {  	_ =	shalt  }
0x7e: {  	_ =	shalt  }
0x7f: {  	_ =	shalt  }
0x80: {  	_ =	shalt  }
0x81: {  	_ =	shalt  }
0x82: {  	_ =	shalt  }
0x83: {  	_ =	shalt  }
0x84: {  	_ =	shalt  }
0x85: {  	_ =	shalt  }
0x86: {  	_ =	shalt  }
0x87: {  	_ =	shalt  }
.Lfunc_end0:
.L_simem_size_0:
called_computation.1_lowered:
.L_overlay_start_0:
0x88: {  	s2 =	sld [smem:$0x3FD9]  }
0x89: {  	s3 =	sld [smem:$0x3FFE];
	_ =	sdelay $0x1  }
0x8a: {  	s1 =	srdreg.scid  }
0x8b: {  	s0 =	sand.u32 $0x1, s1  }
0x8c: {  	s17 =	sshll.u32 s0, $0xA;
	s2 =	sadd.s32 s3, s2  }
0x8d: {  	s2 =	sadd.s32 s2, s17  }
0x8e: {  	[smem:$0x3FC2] =	sst s2  }
0x8f: {  	_ = 	snop  }
0x90: {  	s2 =	sld [smem:$0x3FD0];
	(tm) =	ssettm $0x1  }
0x91: {  	s18 =	sld [smem:$0x3FFB];
	_ =	sdelay $0x3  }
0x92: {  	_ =	strace s18  }
0x93: {  	s3 =	sld [smem:$0x3FFC];
	_ =	sdelay $0x3  }
0x94: {  	_ =	strace s3  }
0x95: {  	s3 =	sld [smem:$0x3FFD];
	_ =	sdelay $0x3  }
0x96: {  	_ =	strace s3  }
0x97: {  	_ =	strace $0x8FFFFFFF  }
0x98: {  	s19 =	sld [smem:$0x3FDB];
	_ =	sdelay $0x1  }
0x99: {  	s4 =	simm.s32 $_scs_section_size  }
0x9a: {  	s5 =	simm.s32 $_size__tile_overlayer_lowered;
	s6 =	simm.s32 $_tile_overlayer_lowered  }
0x9b: {  	s22 =	simm.s32 $0x1BFF;
	s21 =	sshll.u32 s6, $0x1;
	s3 =	sadd.s32 s4, s19  }
0x9c: {  	s7 =	simm.s32 $0x0;
	s20 =	sshll.u32 s5, $0x1;
	s5 =	sadd.s32 s21, s3  }
0x9d: {  	[timem:s7], [sflag:s22] =	dma.local [hbm:s5], s20  }
0x9e: {  	_ =	swait.ge [sflag:s22], s20  }
0x9f: {  	s4 =	ssub.s32 $0x0, s20;
	[sflag:s22] =	ssyncset.done $0x0  }
0xa0: {  	[sflag:s22] =	ssyncadd.s32 s4;
	_ =	sdelay $0x1  }
0xa1: {  	s23 =	simm.s32 $0x1B8B  }
0xa2: {  	_ =	swait.ge [sflag:s23], $0x1  }
0xa3: {  	[sflag:s23] =	ssyncset.done $0x0  }
0xa4: {  	s25 =	simm.s32 $0x1B8E;
	s24 =	sld [smem:$0x3FFE];
	[sflag:s23] =	ssyncadd.s32 $0xFFFFFFFF  }
0xa5: {  	s26 =	simm.s32 $execute0_lowered;
	[smem:$0x3FD2] =	sst s25  }
0xa6: {  	s5 =	sshll.u32 s26, $0x1;
	_ =	strace $0x80000049;
	[dreg:$0x1] =	wrdreg $0xFFFFFFFF  }
0xa7: {  	s28 =	simm.s32 $_size_execute0_lowered;
	s3 =	sadd.s32 s3, s5;
	[dreg:$0x0] =	wrdreg $0x0  }
0xa8: {  	s5 =	sshll.u32 s28, $0x1;
	[dreg:$0x2] =	wrdreg s3  }
0xa9: {  	[dreg:$0x3] =	wrdreg s5  }
0xaa: {  	[dreg:$0x4] =	wrdreg $0xC0  }
0xab: {  	_ =	task [dreg:s7], $0x5FFFF  }
0xac: {  	[dreg:$0x1] =	wrdreg $0xFFFFFFFF  }
0xad: {  	[dreg:$0x0] =	wrdreg $0x60  }
0xae: {  	[dreg:$0x2] =	wrdreg s24  }
0xaf: {  	[dreg:$0x3] =	wrdreg s2  }
0xb0: {  	[dreg:$0x4] =	wrdreg $0xB0000  }
0xb1: {  	[dreg:$0x5] =	wrdreg $0x9  }
0xb2: {  	_ =	task.clear_ibuf [dreg:s7], $0x6FFFF;
	_ =	strace $0x90000049  }
0xb3: {  	s29 =	simm.s32 $0x9;
	_ =	strace $0x8000004B  }
0xb4: {  	_ =	swait.ge [sflag:s29], $0x1  }
0xb5: {  	[sflag:s29] =	ssyncadd.s32 $0xFFFFFFFF  }
0xb6: {  	_ =	strace $0x9000004B  }
0xb7: {  	_ =	sfence  }
0xb8: {  	s30 =	sld [smem:$0x0];
	_ =	sdelay $0x2  }
0xb9: {  	s31 =	sshll.u32 s1, $0xD;
	s1 =	sshrl.u32 s1, $0x2  }
0xba: {  	s3 =	sand.u32 $0x4000, s31;
	s1 =	sadd.s32 s1, s30  }
0xbb: {  	s0 =	sor.u32 s3, s0;
	s1 =	sshll.u32 s1, $0x11  }
0xbc: {  	s0 =	sor.u32 s1, s0  }
0xbd: {  	s0 =	sadd.s32 $0x8F2B, s0  }
0xbe: {  	[sflag:s0] =	ssyncadd.remote.s32 $0x1  }
0xbf: {  	_ =	sfence.sel $0xFFFF  }
0xc0: {  	[dreg:$0x0] =	wrdreg $0xFFFFFFFF;
	(pc) =	sbr.abs _section_cstart, $3  }
0xc1: {  	[dreg:$0x1] =	wrdreg $0xFFFFFFFF  }
0xc2: {  	_ =	task.clear_ibuf [dreg:s7], $0x2FFFF;
	_ =	strace $0x9FFFFFFF  }
0xc3: {  	(tm) =	ssettm $0x7FFFFFFF  }
tec
execute0_lowered:
.L_overlay_start_1:
0x0: {  	(tag) =	ssettag $0x1  }
0x1: {  	s6 =	rddreg [dreg:$0x0]  }
0x2: {  	s10 =	rddreg [dreg:$0x1]  }
0x3: {  	s1 =	rddreg [dreg:$0x2]  }
0x4: {  	s2 =	srdreg.scid;
	s0 =	rddreg [dreg:$0x3]  }
0x5: {  	s3 =	simm.s32 $0x0;
	s16 =	simm.s32 $0x80;
	s17 =	simm.s32 $0x3000  }
0x6: {  	s18 =	simm.s32 $0x7000;
	s19 =	simm.s32 $0x1;
	s20 =	simm.s32 $0x2  }
0x7: {  	s21 =	simm.s32 $0x3;
	s22 =	simm.s32 $0x4;
	s23 =	simm.s32 $0x2B00  }
0x8: {  	s24 =	simm.s32 $0x2B80;
	s25 =	simm.s32 $0x0;
	s7 =	sand.u32 $0x1, s2  }
0x9: {  	s2 =	stileid.u32;
	[smem:$0x7FF] =	sst s3;
	s4 =	sadd.s32 $0x5DE00, s6  }
0xa: {  	s11 =	sadd.s32 $0x53E00, s6;
	s5 =	sadd.s32 $0x2600, s6;
	s8 =	smul.u32 $0x13C000, s7  }
0xb: {  	s9 =	smul.u32 $0x13C00, s2;
	_ =	strace $0x8000004A;
	s26 =	sshll.u32 s7, $0x4  }
0xc: {  	s7 =	ssub.s32 $0x2, s7;
	s12 =	smul.u32 $0x4F000, s2;
	s29 =	sshll.u32 s2, $0x6  }
0xd: {  	s13 =	sshrl.u32 s7, $0x1;
	s8 =	sadd.s32 s9, s8;
	s9 =	sor.u32 s2, s26  }
0xe: {  	s13 =	ssub.s32 s7, s13;
	s28 =	sshrl.u32 s12, $0x2;
	s9 =	smul.u32 $0x2800, s9  }
0xf: {  	s8 =	sshrl.u32 s8, $0x3;
	s15 =	sadd.s32 s28, s1;
	s12 =	smax.u32 s13, $0x1  }
0x10: {  	s14 =	sadd.s32 s8, s6;
	s6 =	sor.u32 $0x1C05, s29;
	s30 =	sshrl.u32 s9, $0x3  }
0x11: {  	s13 =	sshrl.u32 s15, $0x3;
	s15 =	simm.s32 $0x1800;
	s31 =	sadd.s32 $0x280, s30  }
0x12: {  	s7 =	sadd.s32 s11, s30;
	s8 =	sadd.s32 s10, s30;
	s9 =	sadd.s32 s11, s31  }
0x13: {  	s10 =	sadd.s32 s10, s31;
	s11 =	sadd.s32 $0x85600, s14;
	s14 =	simm.s32 $0x5  }
.LBB2_1:
0x14: {  	[spmem:s13], [sflag:s6] =	dma.local [hbm:s5], $0x2780  }
0x15: {  	_ =	swait.ge [sflag:s14], $0x2780  }
0x16: {  	[sflag:s14] =	ssyncset.done $0x0  }
0x17: {  	[sflag:s14] =	ssyncadd.s32 $0xFFFFD880  }
0x18: {  	[bflag:$0x0] =	sbarrier.arrive $0xFFFF  }
0x19: {  	[tilespmem:s3], [sflag:$0x5] =	stream.linear.gather [hbm4b:s7+s3], $0x1400, $0x38;
	[tilespmem:$0x1EC00] =	vst v63  }
0x1a: {  	_ =	swait.ge [sflag:s14], $0x1400  }
0x1b: {  	[sflag:s14] =	ssyncset.done $0x0  }
0x1c: {  	[sflag:s14] =	ssyncadd.s32 $0xFFFFEC00  }
0x1d: {  	[tilespmem:s15], [sflag:$0x5] =	stream.linear.gather [hbm4b:s8+s3], $0x1400, $0x38;
	[tilespmem:$0x1EC00] =	vst v63  }
0x1e: {  	_ =	swait.ge [sflag:s14], $0x1400  }
0x1f: {  	[sflag:s14] =	ssyncset.done $0x0  }
0x20: {  	[sflag:s14] =	ssyncadd.s32 $0xFFFFEC00  }
0x21: {  	[tilespmem:s17], [sflag:$0x1] =	stream.indirect.gather [hbm4b:s4+s16], $0x80, s3, s16, $0xb8;
	[tilespmem:$0x1EC00] =	vst v63  }
0x22: {  	_ = 	snop  }
0x23: {  	[tilespmem:s18], [sflag:$0x2] =	stream.indirect.gather [hbm4b:s4+s16], $0x80, s16, s16, $0xb8;
	[tilespmem:$0x1EC00] =	vst v63  }
0x24: {  	_ =	swait.ge [sflag:s19], $0x4000  }
0x25: {  	[sflag:s19] =	ssyncset.done $0x0  }
0x26: {  	s26 =	simm.s32 $0x1800;
	[sflag:s19] =	ssyncadd.s32 $0xFFFFC000  }
0x27: {  	[spmem:s1] =	stream.indirect.scatter.add.f32 [tilespmem:s17], [sflag:$0x3], $0x80, s26, s16, $0xb8;
	[tilespmem:$0x1EC00] =	vst v63  }
0x28: {  	_ =	swait.ge [sflag:s20], $0x4000  }
0x29: {  	[sflag:s20] =	ssyncset.done $0x0  }
0x2a: {  	s30 =	simm.s32 $0x1880;
	[sflag:s20] =	ssyncadd.s32 $0xFFFFC000  }
0x2b: {  	[spmem:s1] =	stream.indirect.scatter.add.f32 [tilespmem:s18], [sflag:$0x4], $0x80, s30, s16, $0xb8;
	[tilespmem:$0x1EC00] =	vst v63  }
0x2c: {  	_ =	swait.ge [sflag:s21], $0x4000  }
0x2d: {  	[sflag:s21] =	ssyncset.done $0x0  }
0x2e: {  	s31 =	simm.s32 $0x100;
	[sflag:s21] =	ssyncadd.s32 $0xFFFFC000  }
0x2f: {  	[tilespmem:s17], [sflag:$0x1] =	stream.indirect.gather [hbm4b:s4+s16], $0x80, s31, s16, $0xb8;
	[tilespmem:$0x1EC00] =	vst v63  }
0x30: {  	_ =	swait.ge [sflag:s22], $0x4000  }
0x31: {  	[sflag:s22] =	ssyncset.done $0x0  }
0x32: {  	s28 =	simm.s32 $0x180;
	s26 =	simm.s32 $0x400;
	[sflag:s22] =	ssyncadd.s32 $0xFFFFC000  }
.LBB2_2:
0x33: {  	[tilespmem:s18], [sflag:$0x2] =	stream.indirect.gather [hbm4b:s4+s16], $0x80, s28, s16, $0xb8;
	[tilespmem:$0x1EC00] =	vst v63  }
0x34: {  	s28 =	smov.u32 s26  }
0x35: {  	p0 =	sne.s32 s26, $0x4800;
	s26 =	sadd.s32 $0x400, s26;
	_ =	swait.ge [sflag:s19], $0x4000  }
0x36: {  	s28 =	sshra.s32 s28, $0x2;
	[sflag:s19] =	ssyncset.done $0x0  }
0x37: {  	s29 =	sadd.s32 $0x1800, s28;
	[sflag:s19] =	ssyncadd.s32 $0xFFFFC000  }
0x38: {  	[spmem:s1] =	stream.indirect.scatter.add.f32 [tilespmem:s17], [sflag:$0x3], $0x80, s29, s16, $0xb8;
	[tilespmem:$0x1EC00] =	vst v63  }
0x39: {  	_ =	swait.ge [sflag:s20], $0x4000  }
0x3a: {  	[sflag:s20] =	ssyncset.done $0x0  }
0x3b: {  	s29 =	sadd.s32 $0x1880, s28;
	[sflag:s20] =	ssyncadd.s32 $0xFFFFC000  }
0x3c: {  	[spmem:s1] =	stream.indirect.scatter.add.f32 [tilespmem:s18], [sflag:$0x4], $0x80, s29, s16, $0xb8;
	[tilespmem:$0x1EC00] =	vst v63  }
0x3d: {  	_ =	swait.ge [sflag:s21], $0x4000  }
0x3e: {  	[sflag:s21] =	ssyncset.done $0x0  }
.Ltmp0:
0x3f: {  	s29 =	sadd.s32 $0x100, s28;
	[sflag:s21] =	ssyncadd.s32 $0xFFFFC000;
	(pc) =	sbr.rel @p0 .LBB2_2-.Ltmp0, $4  }
0x40: {  	[tilespmem:s17], [sflag:$0x1] =	stream.indirect.gather [hbm4b:s4+s16], $0x80, s29, s16, $0xb8;
	[tilespmem:$0x1EC00] =	vst v63  }
0x41: {  	_ =	swait.ge [sflag:s22], $0x4000  }
0x42: {  	[sflag:s22] =	ssyncset.done $0x0  }
0x43: {  	s28 =	sadd.s32 $0x180, s28;
	[sflag:s22] =	ssyncadd.s32 $0xFFFFC000  }
0x44: {  	[tilespmem:s18], [sflag:$0x2] =	stream.indirect.gather [hbm4b:s4+s16], $0x80, s28, s16, $0xb8;
	[tilespmem:$0x1EC00] =	vst v63  }
0x45: {  	_ =	swait.ge [sflag:s19], $0x4000  }
0x46: {  	[sflag:s19] =	ssyncset.done $0x0  }
0x47: {  	[sflag:s19] =	ssyncadd.s32 $0xFFFFC000  }
0x48: {  	[spmem:s1] =	stream.indirect.scatter.add.f32 [tilespmem:s17], [sflag:$0x3], $0x80, s23, s16, $0xb8;
	[tilespmem:$0x1EC00] =	vst v63  }
0x49: {  	_ =	swait.ge [sflag:s20], $0x4000  }
0x4a: {  	[sflag:s20] =	ssyncset.done $0x0  }
0x4b: {  	[sflag:s20] =	ssyncadd.s32 $0xFFFFC000  }
0x4c: {  	[spmem:s1] =	stream.indirect.scatter.add.f32 [tilespmem:s18], [sflag:$0x4], $0x80, s24, s16, $0xb8;
	[tilespmem:$0x1EC00] =	vst v63  }
0x4d: {  	_ =	swait.ge [sflag:s21], $0x4000  }
0x4e: {  	[sflag:s21] =	ssyncset.done $0x0  }
0x4f: {  	[sflag:s21] =	ssyncadd.s32 $0xFFFFC000  }
0x50: {  	_ =	swait.ge [sflag:s22], $0x4000  }
0x51: {  	[sflag:s22] =	ssyncset.done $0x0  }
0x52: {  	s26 =	simm.s32 $0x0;
	[sflag:s22] =	ssyncadd.s32 $0xFFFFC000  }
0x53: {  	[tilespmem:s26], [sflag:$0x5] =	stream.linear.gather [hbm4b:s9+s26], $0x1400, $0x38;
	[tilespmem:$0x1EC00] =	vst v63  }
0x54: {  	_ =	swait.ge [sflag:s14], $0x1400  }
0x55: {  	[sflag:s14] =	ssyncset.done $0x0  }
0x56: {  	[sflag:s14] =	ssyncadd.s32 $0xFFFFEC00  }
0x57: {  	[tilespmem:s15], [sflag:$0x5] =	stream.linear.gather [hbm4b:s10+s26], $0x1400, $0x38;
	[tilespmem:$0x1EC00] =	vst v63  }
0x58: {  	_ =	swait.ge [sflag:s14], $0x1400  }
0x59: {  	[sflag:s14] =	ssyncset.done $0x0  }
0x5a: {  	[sflag:s14] =	ssyncadd.s32 $0xFFFFEC00  }
0x5b: {  	[tilespmem:s17], [sflag:$0x1] =	stream.indirect.gather [hbm4b:s4+s16], $0x80, s26, s16, $0xb8;
	[tilespmem:$0x1EC00] =	vst v63  }
0x5c: {  	_ = 	snop  }
0x5d: {  	[tilespmem:s18], [sflag:$0x2] =	stream.indirect.gather [hbm4b:s4+s16], $0x80, s16, s16, $0xb8;
	[tilespmem:$0x1EC00] =	vst v63  }
0x5e: {  	_ =	swait.ge [sflag:s19], $0x4000  }
0x5f: {  	[sflag:s19] =	ssyncset.done $0x0  }
0x60: {  	s29 =	simm.s32 $0x1800;
	[sflag:s19] =	ssyncadd.s32 $0xFFFFC000  }
0x61: {  	[spmem:s1] =	stream.indirect.scatter.add.f32 [tilespmem:s17], [sflag:$0x3], $0x80, s29, s16, $0xb8;
	[tilespmem:$0x1EC00] =	vst v63  }
0x62: {  	_ =	swait.ge [sflag:s20], $0x4000  }
0x63: {  	[sflag:s20] =	ssyncset.done $0x0  }
0x64: {  	s30 =	simm.s32 $0x1880;
	[sflag:s20] =	ssyncadd.s32 $0xFFFFC000  }
0x65: {  	[spmem:s1] =	stream.indirect.scatter.add.f32 [tilespmem:s18], [sflag:$0x4], $0x80, s30, s16, $0xb8;
	[tilespmem:$0x1EC00] =	vst v63  }
0x66: {  	_ =	swait.ge [sflag:s21], $0x4000  }
0x67: {  	[sflag:s21] =	ssyncset.done $0x0  }
0x68: {  	s31 =	simm.s32 $0x100;
	[sflag:s21] =	ssyncadd.s32 $0xFFFFC000  }
0x69: {  	[tilespmem:s17], [sflag:$0x1] =	stream.indirect.gather [hbm4b:s4+s16], $0x80, s31, s16, $0xb8;
	[tilespmem:$0x1EC00] =	vst v63  }
0x6a: {  	_ =	swait.ge [sflag:s22], $0x4000  }
0x6b: {  	[sflag:s22] =	ssyncset.done $0x0  }
0x6c: {  	s28 =	simm.s32 $0x180;
	s26 =	simm.s32 $0x400;
	[sflag:s22] =	ssyncadd.s32 $0xFFFFC000  }
.LBB2_4:
0x6d: {  	[tilespmem:s18], [sflag:$0x2] =	stream.indirect.gather [hbm4b:s4+s16], $0x80, s28, s16, $0xb8;
	[tilespmem:$0x1EC00] =	vst v63  }
0x6e: {  	s28 =	smov.u32 s26  }
0x6f: {  	p0 =	sne.s32 s26, $0x4800;
	s26 =	sadd.s32 $0x400, s26;
	_ =	swait.ge [sflag:s19], $0x4000  }
0x70: {  	s28 =	sshra.s32 s28, $0x2;
	[sflag:s19] =	ssyncset.done $0x0  }
0x71: {  	s29 =	sadd.s32 $0x1800, s28;
	[sflag:s19] =	ssyncadd.s32 $0xFFFFC000  }
0x72: {  	[spmem:s1] =	stream.indirect.scatter.add.f32 [tilespmem:s17], [sflag:$0x3], $0x80, s29, s16, $0xb8;
	[tilespmem:$0x1EC00] =	vst v63  }
0x73: {  	_ =	swait.ge [sflag:s20], $0x4000  }
0x74: {  	[sflag:s20] =	ssyncset.done $0x0  }
0x75: {  	s29 =	sadd.s32 $0x1880, s28;
	[sflag:s20] =	ssyncadd.s32 $0xFFFFC000  }
0x76: {  	[spmem:s1] =	stream.indirect.scatter.add.f32 [tilespmem:s18], [sflag:$0x4], $0x80, s29, s16, $0xb8;
	[tilespmem:$0x1EC00] =	vst v63  }
0x77: {  	_ =	swait.ge [sflag:s21], $0x4000  }
0x78: {  	[sflag:s21] =	ssyncset.done $0x0  }
.Ltmp1:
0x79: {  	s29 =	sadd.s32 $0x100, s28;
	[sflag:s21] =	ssyncadd.s32 $0xFFFFC000;
	(pc) =	sbr.rel @p0 .LBB2_4-.Ltmp1, $4  }
0x7a: {  	[tilespmem:s17], [sflag:$0x1] =	stream.indirect.gather [hbm4b:s4+s16], $0x80, s29, s16, $0xb8;
	[tilespmem:$0x1EC00] =	vst v63  }
0x7b: {  	_ =	swait.ge [sflag:s22], $0x4000  }
0x7c: {  	[sflag:s22] =	ssyncset.done $0x0  }
0x7d: {  	s28 =	sadd.s32 $0x180, s28;
	[sflag:s22] =	ssyncadd.s32 $0xFFFFC000  }
0x7e: {  	[tilespmem:s18], [sflag:$0x2] =	stream.indirect.gather [hbm4b:s4+s16], $0x80, s28, s16, $0xb8;
	[tilespmem:$0x1EC00] =	vst v63  }
0x7f: {  	_ =	swait.ge [sflag:s19], $0x4000  }
0x80: {  	[sflag:s19] =	ssyncset.done $0x0  }
0x81: {  	[sflag:s19] =	ssyncadd.s32 $0xFFFFC000  }
0x82: {  	[spmem:s1] =	stream.indirect.scatter.add.f32 [tilespmem:s17], [sflag:$0x3], $0x80, s23, s16, $0xb8;
	[tilespmem:$0x1EC00] =	vst v63  }
0x83: {  	_ =	swait.ge [sflag:s20], $0x4000  }
0x84: {  	[sflag:s20] =	ssyncset.done $0x0  }
0x85: {  	[sflag:s20] =	ssyncadd.s32 $0xFFFFC000  }
0x86: {  	[spmem:s1] =	stream.indirect.scatter.add.f32 [tilespmem:s18], [sflag:$0x4], $0x80, s24, s16, $0xb8;
	[tilespmem:$0x1EC00] =	vst v63  }
0x87: {  	_ =	swait.ge [sflag:s21], $0x4000  }
0x88: {  	[sflag:s21] =	ssyncset.done $0x0  }
0x89: {  	[sflag:s21] =	ssyncadd.s32 $0xFFFFC000  }
0x8a: {  	_ =	swait.ge [sflag:s22], $0x4000  }
0x8b: {  	s25 =	sadd.s32 $0x1, s25;
	[sflag:s22] =	ssyncset.done $0x0  }
0x8c: {  	p0 =	sne.s32 s25, s12;
	[sflag:s22] =	ssyncadd.s32 $0xFFFFC000  }
.Ltmp2:
0x8d: {  	[bflag:$0x0] =	sbarrier.arrive $0xFFFF;
	(pc) =	sbr.rel @p0 .LBB2_1-.Ltmp2, $4  }
0x8e: {  	[hbm:s11], [sflag:s6] =	dma.local [spmem:s13], $0x2780  }
0x8f: {  	_ =	swait.ge [sflag:s14], $0x2780  }
0x90: {  	[sflag:s14] =	ssyncset.done $0x0  }
0x91: {  	[sflag:s14] =	ssyncadd.s32 $0xFFFFD880  }
0x92: {  	_ =	sfence.sel $0x180000  }
0x93: {  	[bflag:$0x0] =	sbarrier.arrive $0xFFFF  }
0x94: {  	p0 =	sne.s32 s2, $0x0;
	_ =	strace $0x9000004A  }
0x95: {  	s0 =	sadd.s32 @!p0 $0x100000, s0;
	[bflag:$0x2] =	sbarrier.arrive $0xFFFF  }
0x96: {  	[sflag:s0] =	ssyncadd.tile.s32 @!p0 $0x1;
	_ =	shalt  }
.Lfunc_end2:
_tile_overlayer_lowered:
.L_overlay_start_2:
0x97: {  	(tag) =	ssettag $0x2  }
0x98: {  	s0 =	rddreg [dreg:$0x0];
	s2 =	stileid.u32  }
0x99: {  	s1 =	rddreg [dreg:$0x1];
	p0 =	sne.s32 s2, $0x0  }
0x9a: {  	s3 =	rddreg [dreg:$0x2];
	[bflag:$0x3] =	sbarrier.arrive $0xFFFF;
	s2 =	simm.s32 @!p0 $0x1C05  }
0x9b: {  	[timem:s3], [sflag:s2] =	dma.local @!p0 [hbm:s0], s1  }
0x9c: {  	s0 =	simm.s32 @!p0 $0x5  }
0x9d: {  	_ =	swait.ge @!p0 [sflag:s0], s1  }
0x9e: {  	s1 =	ssub.s32 @!p0 $0x0, s1;
	[sflag:s0] =	ssyncset.done @!p0 $0x0  }
0x9f: {  	[sflag:s0] =	ssyncadd.s32 @!p0 s1  }
0xa0: {  	[bflag:$0x3] =	sbarrier.arrive $0xFFFF  }
0xa1: {  	_ =	shalt  }

// kernel: kernel.14.cloned.1.call-start
scs
__scs_entry_jumppad:
0x0: {  	(pc) =	sbr.rel $0x88, $3  }
0x1: {  	(tag) =	ssettag $0x0;
	lr =	simm.s32 $0x1  }
0x2: {  	[smem:$0x3F9B] =	sst lr;
	_ =	strace $0xD0000000  }
0x3: {  	_ = 	snop  }
0x4: {  	_ = 	snop  }
0x5: {  	_ = 	snop  }
0x6: {  	_ = 	snop  }
0x7: {  	_ = 	snop  }
__scs_overlays_trampoline_lowered:
0x8: {  	[smem:$0x3FAA] =	sst s0  }
0x9: {  	[smem:$0x3FAB] =	sst s1  }
0xa: {  	[smem:$0x3FAC] =	sst s2  }
0xb: {  	[smem:$0x3FAD] =	sst s3  }
0xc: {  	[smem:$0x3FAE] =	sst s4  }
0xd: {  	[smem:$0x3FAF] =	sst s5  }
0xe: {  	[smem:$0x3FB0] =	sst s6  }
0xf: {  	[smem:$0x3FB1] =	sst s7  }
0x10: {  	[smem:$0x3FB2] =	sst s8  }
0x11: {  	[smem:$0x3FB3] =	sst s9;
	s0 =	simm.s32 @!p0 $0x0  }
0x12: {  	s1 =	sld [smem:$0x3F99];
	s0 =	simm.s32 @p0 $0x1  }
0x13: {  	[smem:$0x3FB4] =	sst s0;
	s0 =	simm.s32 @!p1 $0x0  }
0x14: {  	s2 =	sld [smem:$0x3F98];
	s0 =	simm.s32 @p1 $0x1  }
0x15: {  	[smem:$0x3FB5] =	sst s0;
	s0 =	simm.s32 @!p2 $0x0  }
0x16: {  	s3 =	sld [smem:$0x3FDB];
	s0 =	simm.s32 @p2 $0x1  }
0x17: {  	s4 =	simm.s32 $0x1BF5;
	[smem:$0x3FB7] =	sst s0  }
0x18: {  	s0 =	sld [smem:$0x3F9A];
	_ =	swait.ge [sflag:s4], $0x0  }
0x19: {  	s7 =	sld [smem:$0x3F9B]  }
0x1a: {  	s8 =	sadd.s32 $0xFFFFE003, lr  }
0x1b: {  	s9 =	sadd.s32 $0xFFFFFEF7, lr;
	s5 =	simm.s32 $0xFFFFFFFF;
	p2 =	slt.u32 s8, $0xFFFFF086  }
0x1c: {  	p1 =	slt.u32 s9, $0xF7A;
	s5 =	simm.s32 @!p2 $0x0  }
0x1d: {  	s5 =	simm.s32 @p1 $0x1;
	p0 =	seq.s32 s7, s2  }
0x1e: {  	s7 =	smul.u32 @!p0 $0xF7A, s2;
	p2 =	seq.s32 @!p0 s5, $0x0  }
0x1f: {  	s9 =	smul.u32 $0xF7A, s1;
	s8 =	simm.s32 @!p0 $0x1BF5;
	p2 =	por !p2, p0  }
0x20: {  	[sflag:s8] =	ssyncset.s32 @!p0 $0xFFFFF086;
	s6 =	sadd.s32 @!p0 s3, s7;
	s7 =	simm.s32 @!p0 $0x108  }
0x21: {  	s3 =	sadd.s32 s3, s9;
	s6 =	sadd.s32 @!p0 $0x88, s6;
	s7 =	simm.s32 @p2 $0x1082  }
0x22: {  	[simem:s7], [sflag:s8] =	dma.local @!p0 [hbm:s6], $0xF7A  }
0x23: {  	s9 =	sor.u32 $0xD0000000, s2;
	s6 =	simm.s32 $0x108;
	_ =	swait.ge @!p0 [sflag:s8], $0x0  }
0x24: {  	s3 =	sadd.s32 $0x88, s3;
	s6 =	simm.s32 @!p1 $0x1082;
	[sflag:s4] =	ssyncset.s32 $0xFFFFF086  }
0x25: {  	[simem:s6], [sflag:s4] =	dma.local [hbm:s3], $0xF7A  }
0x26: {  	[smem:$0x3F9B] =	sst s1;
	(tag) =	ssettag s2;
	_ =	strace s9  }
0x27: {  	s1 =	sld [smem:$0x3FAB]  }
0x28: {  	s2 =	sld [smem:$0x3FAC]  }
0x29: {  	s4 =	sld [smem:$0x3FAE]  }
0x2a: {  	p0 =	seq.s32 s5, $0x0;
	s5 =	sld [smem:$0x3FAF]  }
0x2b: {  	s6 =	sld [smem:$0x3FB0]  }
0x2c: {  	s7 =	sld [smem:$0x3FB1]  }
0x2d: {  	s3 =	simm.s32 $0x108;
	s8 =	sld [smem:$0x3FB2]  }
0x2e: {  	s3 =	simm.s32 @!p0 $0x1082;
	s9 =	sld [smem:$0x3FB3]  }
0x2f: {  	lr =	sadd.s32 s0, s3;
	s0 =	sld [smem:$0x3FAA]  }
0x30: {  	s3 =	sld [smem:$0x3FAD]  }
0x31: {  	[smem:$0x3FB6] =	sst s10  }
0x32: {  	s10 =	sld [smem:$0x3FB4];
	_ =	sdelay $0x3  }
0x33: {  	p0 =	seq.s32 s10, $0x1;
	s10 =	sld [smem:$0x3FB6];
	_ =	sdelay $0x3  }
0x34: {  	[smem:$0x3FB6] =	sst s10  }
0x35: {  	s10 =	sld [smem:$0x3FB5];
	_ =	sdelay $0x3  }
0x36: {  	p1 =	seq.s32 s10, $0x1;
	s10 =	sld [smem:$0x3FB6];
	_ =	sdelay $0x3  }
0x37: {  	[smem:$0x3FB6] =	sst s10  }
0x38: {  	s10 =	sld [smem:$0x3FB7]  }
0x39: {  	_ = 	snop;
	(pc) =	sbr.ind lr, $3  }
0x3a: {  	_ = 	snop  }
0x3b: {  	_ = 	snop  }
0x3c: {  	p2 =	seq.s32 s10, $0x1;
	s10 =	sld [smem:$0x3FB6]  }
0x3d: {  	_ =	shalt  }
0x3e: {  	_ =	shalt  }
0x3f: {  	_ =	shalt  }
0x40: {  	_ =	shalt  }
0x41: {  	_ =	shalt  }
0x42: {  	_ =	shalt  }
0x43: {  	_ =	shalt  }
0x44: {  	_ =	shalt  }
0x45: {  	_ =	shalt  }
0x46: {  	_ =	shalt  }
0x47: {  	_ =	shalt  }
0x48: {  	_ =	shalt  }
0x49: {  	_ =	shalt  }
0x4a: {  	_ =	shalt  }
0x4b: {  	_ =	shalt  }
0x4c: {  	_ =	shalt  }
0x4d: {  	_ =	shalt  }
0x4e: {  	_ =	shalt  }
0x4f: {  	_ =	shalt  }
0x50: {  	_ =	shalt  }
0x51: {  	_ =	shalt  }
0x52: {  	_ =	shalt  }
0x53: {  	_ =	shalt  }
0x54: {  	_ =	shalt  }
0x55: {  	_ =	shalt  }
0x56: {  	_ =	shalt  }
0x57: {  	_ =	shalt  }
0x58: {  	_ =	shalt  }
0x59: {  	_ =	shalt  }
0x5a: {  	_ =	shalt  }
0x5b: {  	_ =	shalt  }
0x5c: {  	_ =	shalt  }
0x5d: {  	_ =	shalt  }
0x5e: {  	_ =	shalt  }
0x5f: {  	_ =	shalt  }
0x60: {  	_ =	shalt  }
0x61: {  	_ =	shalt  }
0x62: {  	_ =	shalt  }
0x63: {  	_ =	shalt  }
0x64: {  	_ =	shalt  }
0x65: {  	_ =	shalt  }
0x66: {  	_ =	shalt  }
0x67: {  	_ =	shalt  }
0x68: {  	_ =	shalt  }
0x69: {  	_ =	shalt  }
0x6a: {  	_ =	shalt  }
0x6b: {  	_ =	shalt  }
0x6c: {  	_ =	shalt  }
0x6d: {  	_ =	shalt  }
0x6e: {  	_ =	shalt  }
0x6f: {  	_ =	shalt  }
0x70: {  	_ =	shalt  }
0x71: {  	_ =	shalt  }
0x72: {  	_ =	shalt  }
0x73: {  	_ =	shalt  }
0x74: {  	_ =	shalt  }
0x75: {  	_ =	shalt  }
0x76: {  	_ =	shalt  }
0x77: {  	_ =	shalt  }
0x78: {  	_ =	shalt  }
0x79: {  	_ =	shalt  }
0x7a: {  	_ =	shalt  }
0x7b: {  	_ =	shalt  }
0x7c: {  	_ =	shalt  }
0x7d: {  	_ =	shalt  }
0x7e: {  	_ =	shalt  }
0x7f: {  	_ =	shalt  }
0x80: {  	_ =	shalt  }
0x81: {  	_ =	shalt  }
0x82: {  	_ =	shalt  }
0x83: {  	_ =	shalt  }
0x84: {  	_ =	shalt  }
0x85: {  	_ =	shalt  }
0x86: {  	_ =	shalt  }
0x87: {  	_ =	shalt  }
.Lfunc_end0:
.L_simem_size_0:
called_computation.2_lowered:
.L_overlay_start_0:
0x88: {  	s2 =	sld [smem:$0x3FD9]  }
0x89: {  	s3 =	sld [smem:$0x3FFE];
	_ =	sdelay $0x1  }
0x8a: {  	s1 =	srdreg.scid  }
0x8b: {  	s0 =	sand.u32 $0x1, s1  }
0x8c: {  	s17 =	sshll.u32 s0, $0xA;
	s2 =	sadd.s32 s3, s2  }
0x8d: {  	s2 =	sadd.s32 s2, s17  }
0x8e: {  	[smem:$0x3FC2] =	sst s2  }
0x8f: {  	_ = 	snop  }
0x90: {  	s2 =	sld [smem:$0x3FD0];
	(tm) =	ssettm $0x1  }
0x91: {  	s18 =	sld [smem:$0x3FFB];
	_ =	sdelay $0x3  }
0x92: {  	_ =	strace s18  }
0x93: {  	s3 =	sld [smem:$0x3FFC];
	_ =	sdelay $0x3  }
0x94: {  	_ =	strace s3  }
0x95: {  	s3 =	sld [smem:$0x3FFD];
	_ =	sdelay $0x3  }
0x96: {  	_ =	strace s3  }
0x97: {  	_ =	strace $0x8FFFFFFF  }
0x98: {  	s19 =	sld [smem:$0x3FDB];
	_ =	sdelay $0x1  }
0x99: {  	s4 =	simm.s32 $_scs_section_size  }
0x9a: {  	s5 =	simm.s32 $_size__tile_overlayer_lowered;
	s6 =	simm.s32 $_tile_overlayer_lowered  }
0x9b: {  	s22 =	simm.s32 $0x1BFF;
	s21 =	sshll.u32 s6, $0x1;
	s3 =	sadd.s32 s4, s19  }
0x9c: {  	s7 =	simm.s32 $0x0;
	s20 =	sshll.u32 s5, $0x1;
	s5 =	sadd.s32 s21, s3  }
0x9d: {  	[timem:s7], [sflag:s22] =	dma.local [hbm:s5], s20  }
0x9e: {  	_ =	swait.ge [sflag:s22], s20  }
0x9f: {  	s4 =	ssub.s32 $0x0, s20;
	[sflag:s22] =	ssyncset.done $0x0  }
0xa0: {  	[sflag:s22] =	ssyncadd.s32 s4;
	_ =	sdelay $0x1  }
0xa1: {  	s23 =	simm.s32 $0x1B8B  }
0xa2: {  	_ =	swait.ge [sflag:s23], $0x1  }
0xa3: {  	[sflag:s23] =	ssyncset.done $0x0  }
0xa4: {  	s25 =	simm.s32 $0x1B8E;
	s24 =	sld [smem:$0x3FFE];
	[sflag:s23] =	ssyncadd.s32 $0xFFFFFFFF  }
0xa5: {  	s26 =	simm.s32 $execute0_lowered;
	[smem:$0x3FD2] =	sst s25  }
0xa6: {  	s5 =	sshll.u32 s26, $0x1;
	_ =	strace $0x8000004C;
	[dreg:$0x1] =	wrdreg $0xFFFFFFFF  }
0xa7: {  	s28 =	simm.s32 $_size_execute0_lowered;
	s3 =	sadd.s32 s3, s5;
	[dreg:$0x0] =	wrdreg $0x0  }
0xa8: {  	s5 =	sshll.u32 s28, $0x1;
	[dreg:$0x2] =	wrdreg s3  }
0xa9: {  	[dreg:$0x3] =	wrdreg s5  }
0xaa: {  	[dreg:$0x4] =	wrdreg $0xC0  }
0xab: {  	_ =	task [dreg:s7], $0x5FFFF  }
0xac: {  	[dreg:$0x1] =	wrdreg $0xFFFFFFFF  }
0xad: {  	[dreg:$0x0] =	wrdreg $0x60  }
0xae: {  	[dreg:$0x2] =	wrdreg s24  }
0xaf: {  	[dreg:$0x3] =	wrdreg s2  }
0xb0: {  	[dreg:$0x4] =	wrdreg $0xB0000  }
0xb1: {  	[dreg:$0x5] =	wrdreg $0x9  }
0xb2: {  	_ =	task.clear_ibuf [dreg:s7], $0x6FFFF;
	_ =	strace $0x9000004C  }
0xb3: {  	s29 =	simm.s32 $0x9;
	_ =	strace $0x8000004E  }
0xb4: {  	_ =	swait.ge [sflag:s29], $0x1  }
0xb5: {  	[sflag:s29] =	ssyncadd.s32 $0xFFFFFFFF  }
0xb6: {  	_ =	strace $0x9000004E  }
0xb7: {  	_ =	sfence  }
0xb8: {  	s30 =	sld [smem:$0x0];
	_ =	sdelay $0x2  }
0xb9: {  	s31 =	sshll.u32 s1, $0xD;
	s1 =	sshrl.u32 s1, $0x2  }
0xba: {  	s3 =	sand.u32 $0x4000, s31;
	s1 =	sadd.s32 s1, s30  }
0xbb: {  	s0 =	sor.u32 s3, s0;
	s1 =	sshll.u32 s1, $0x11  }
0xbc: {  	s0 =	sor.u32 s1, s0  }
0xbd: {  	s0 =	sadd.s32 $0x8F2B, s0  }
0xbe: {  	[sflag:s0] =	ssyncadd.remote.s32 $0x1  }
0xbf: {  	_ =	sfence.sel $0xFFFF  }
0xc0: {  	[dreg:$0x0] =	wrdreg $0xFFFFFFFF;
	(pc) =	sbr.abs _section_cstart, $3  }
0xc1: {  	[dreg:$0x1] =	wrdreg $0xFFFFFFFF  }
0xc2: {  	_ =	task.clear_ibuf [dreg:s7], $0x2FFFF;
	_ =	strace $0x9FFFFFFF  }
0xc3: {  	(tm) =	ssettm $0x7FFFFFFF  }
tec
execute0_lowered:
.L_overlay_start_1:
0x0: {  	(tag) =	ssettag $0x1  }
0x1: {  	s6 =	rddreg [dreg:$0x0]  }
0x2: {  	s10 =	rddreg [dreg:$0x1]  }
0x3: {  	s1 =	rddreg [dreg:$0x2]  }
0x4: {  	s2 =	srdreg.scid;
	s0 =	rddreg [dreg:$0x3]  }
0x5: {  	s3 =	simm.s32 $0x0;
	s16 =	simm.s32 $0x80;
	s17 =	simm.s32 $0x3000  }
0x6: {  	s18 =	simm.s32 $0x7000;
	s19 =	simm.s32 $0x1;
	s20 =	simm.s32 $0x2  }
0x7: {  	s21 =	simm.s32 $0x3;
	s22 =	simm.s32 $0x4;
	s23 =	simm.s32 $0x2B00  }
0x8: {  	s24 =	simm.s32 $0x2B80;
	s25 =	simm.s32 $0x0;
	s7 =	sand.u32 $0x1, s2  }
0x9: {  	s2 =	stileid.u32;
	[smem:$0x7FF] =	sst s3;
	s4 =	sadd.s32 $0x5DE00, s6  }
0xa: {  	s11 =	sadd.s32 $0x53E00, s6;
	s5 =	sadd.s32 $0x2600, s6;
	s8 =	smul.u32 $0x13C000, s7  }
0xb: {  	s9 =	smul.u32 $0x13C00, s2;
	_ =	strace $0x8000004D;
	s26 =	sshll.u32 s7, $0x4  }
0xc: {  	s7 =	ssub.s32 $0x2, s7;
	s12 =	smul.u32 $0x4F000, s2;
	s29 =	sshll.u32 s2, $0x6  }
0xd: {  	s13 =	sshrl.u32 s7, $0x1;
	s8 =	sadd.s32 s9, s8;
	s9 =	sor.u32 s2, s26  }
0xe: {  	s13 =	ssub.s32 s7, s13;
	s28 =	sshrl.u32 s12, $0x2;
	s9 =	smul.u32 $0x2800, s9  }
0xf: {  	s8 =	sshrl.u32 s8, $0x3;
	s15 =	sadd.s32 s28, s1;
	s12 =	smax.u32 s13, $0x1  }
0x10: {  	s14 =	sadd.s32 s8, s6;
	s6 =	sor.u32 $0x1C05, s29;
	s30 =	sshrl.u32 s9, $0x3  }
0x11: {  	s13 =	sshrl.u32 s15, $0x3;
	s15 =	simm.s32 $0x1800;
	s31 =	sadd.s32 $0x280, s30  }
0x12: {  	s7 =	sadd.s32 s11, s30;
	s8 =	sadd.s32 s10, s30;
	s9 =	sadd.s32 s11, s31  }
0x13: {  	s10 =	sadd.s32 s10, s31;
	s11 =	sadd.s32 $0x85600, s14;
	s14 =	simm.s32 $0x5  }
.LBB2_1:
0x14: {  	[spmem:s13], [sflag:s6] =	dma.local [hbm:s5], $0x2780  }
0x15: {  	_ =	swait.ge [sflag:s14], $0x2780  }
0x16: {  	[sflag:s14] =	ssyncset.done $0x0  }
0x17: {  	[sflag:s14] =	ssyncadd.s32 $0xFFFFD880  }
0x18: {  	[bflag:$0x0] =	sbarrier.arrive $0xFFFF  }
0x19: {  	[tilespmem:s3], [sflag:$0x5] =	stream.linear.gather [hbm4b:s7+s3], $0x1400, $0x38;
	[tilespmem:$0x1EC00] =	vst v63  }
0x1a: {  	_ =	swait.ge [sflag:s14], $0x1400  }
0x1b: {  	[sflag:s14] =	ssyncset.done $0x0  }
0x1c: {  	[sflag:s14] =	ssyncadd.s32 $0xFFFFEC00  }
0x1d: {  	[tilespmem:s15], [sflag:$0x5] =	stream.linear.gather [hbm4b:s8+s3], $0x1400, $0x38;
	[tilespmem:$0x1EC00] =	vst v63  }
0x1e: {  	_ =	swait.ge [sflag:s14], $0x1400  }
0x1f: {  	[sflag:s14] =	ssyncset.done $0x0  }
0x20: {  	[sflag:s14] =	ssyncadd.s32 $0xFFFFEC00  }
0x21: {  	[tilespmem:s17], [sflag:$0x1] =	stream.indirect.gather [hbm4b:s4+s16], $0x80, s3, s16, $0xb8;
	[tilespmem:$0x1EC00] =	vst v63  }
0x22: {  	_ = 	snop  }
0x23: {  	[tilespmem:s18], [sflag:$0x2] =	stream.indirect.gather [hbm4b:s4+s16], $0x80, s16, s16, $0xb8;
	[tilespmem:$0x1EC00] =	vst v63  }
0x24: {  	_ =	swait.ge [sflag:s19], $0x4000  }
0x25: {  	[sflag:s19] =	ssyncset.done $0x0  }
0x26: {  	s26 =	simm.s32 $0x1800;
	[sflag:s19] =	ssyncadd.s32 $0xFFFFC000  }
0x27: {  	[spmem:s1] =	stream.indirect.scatter.add.f32 [tilespmem:s17], [sflag:$0x3], $0x80, s26, s16, $0xb8;
	[tilespmem:$0x1EC00] =	vst v63  }
0x28: {  	_ =	swait.ge [sflag:s20], $0x4000  }
0x29: {  	[sflag:s20] =	ssyncset.done $0x0  }
0x2a: {  	s30 =	simm.s32 $0x1880;
	[sflag:s20] =	ssyncadd.s32 $0xFFFFC000  }
0x2b: {  	[spmem:s1] =	stream.indirect.scatter.add.f32 [tilespmem:s18], [sflag:$0x4], $0x80, s30, s16, $0xb8;
	[tilespmem:$0x1EC00] =	vst v63  }
0x2c: {  	_ =	swait.ge [sflag:s21], $0x4000  }
0x2d: {  	[sflag:s21] =	ssyncset.done $0x0  }
0x2e: {  	s31 =	simm.s32 $0x100;
	[sflag:s21] =	ssyncadd.s32 $0xFFFFC000  }
0x2f: {  	[tilespmem:s17], [sflag:$0x1] =	stream.indirect.gather [hbm4b:s4+s16], $0x80, s31, s16, $0xb8;
	[tilespmem:$0x1EC00] =	vst v63  }
0x30: {  	_ =	swait.ge [sflag:s22], $0x4000  }
0x31: {  	[sflag:s22] =	ssyncset.done $0x0  }
0x32: {  	s28 =	simm.s32 $0x180;
	s26 =	simm.s32 $0x400;
	[sflag:s22] =	ssyncadd.s32 $0xFFFFC000  }
.LBB2_2:
0x33: {  	[tilespmem:s18], [sflag:$0x2] =	stream.indirect.gather [hbm4b:s4+s16], $0x80, s28, s16, $0xb8;
	[tilespmem:$0x1EC00] =	vst v63  }
0x34: {  	s28 =	smov.u32 s26  }
0x35: {  	p0 =	sne.s32 s26, $0x4800;
	s26 =	sadd.s32 $0x400, s26;
	_ =	swait.ge [sflag:s19], $0x4000  }
0x36: {  	s28 =	sshra.s32 s28, $0x2;
	[sflag:s19] =	ssyncset.done $0x0  }
0x37: {  	s29 =	sadd.s32 $0x1800, s28;
	[sflag:s19] =	ssyncadd.s32 $0xFFFFC000  }
0x38: {  	[spmem:s1] =	stream.indirect.scatter.add.f32 [tilespmem:s17], [sflag:$0x3], $0x80, s29, s16, $0xb8;
	[tilespmem:$0x1EC00] =	vst v63  }
0x39: {  	_ =	swait.ge [sflag:s20], $0x4000  }
0x3a: {  	[sflag:s20] =	ssyncset.done $0x0  }
0x3b: {  	s29 =	sadd.s32 $0x1880, s28;
	[sflag:s20] =	ssyncadd.s32 $0xFFFFC000  }
0x3c: {  	[spmem:s1] =	stream.indirect.scatter.add.f32 [tilespmem:s18], [sflag:$0x4], $0x80, s29, s16, $0xb8;
	[tilespmem:$0x1EC00] =	vst v63  }
0x3d: {  	_ =	swait.ge [sflag:s21], $0x4000  }
0x3e: {  	[sflag:s21] =	ssyncset.done $0x0  }
.Ltmp0:
0x3f: {  	s29 =	sadd.s32 $0x100, s28;
	[sflag:s21] =	ssyncadd.s32 $0xFFFFC000;
	(pc) =	sbr.rel @p0 .LBB2_2-.Ltmp0, $4  }
0x40: {  	[tilespmem:s17], [sflag:$0x1] =	stream.indirect.gather [hbm4b:s4+s16], $0x80, s29, s16, $0xb8;
	[tilespmem:$0x1EC00] =	vst v63  }
0x41: {  	_ =	swait.ge [sflag:s22], $0x4000  }
0x42: {  	[sflag:s22] =	ssyncset.done $0x0  }
0x43: {  	s28 =	sadd.s32 $0x180, s28;
	[sflag:s22] =	ssyncadd.s32 $0xFFFFC000  }
0x44: {  	[tilespmem:s18], [sflag:$0x2] =	stream.indirect.gather [hbm4b:s4+s16], $0x80, s28, s16, $0xb8;
	[tilespmem:$0x1EC00] =	vst v63  }
0x45: {  	_ =	swait.ge [sflag:s19], $0x4000  }
0x46: {  	[sflag:s19] =	ssyncset.done $0x0  }
0x47: {  	[sflag:s19] =	ssyncadd.s32 $0xFFFFC000  }
0x48: {  	[spmem:s1] =	stream.indirect.scatter.add.f32 [tilespmem:s17], [sflag:$0x3], $0x80, s23, s16, $0xb8;
	[tilespmem:$0x1EC00] =	vst v63  }
0x49: {  	_ =	swait.ge [sflag:s20], $0x4000  }
0x4a: {  	[sflag:s20] =	ssyncset.done $0x0  }
0x4b: {  	[sflag:s20] =	ssyncadd.s32 $0xFFFFC000  }
0x4c: {  	[spmem:s1] =	stream.indirect.scatter.add.f32 [tilespmem:s18], [sflag:$0x4], $0x80, s24, s16, $0xb8;
	[tilespmem:$0x1EC00] =	vst v63  }
0x4d: {  	_ =	swait.ge [sflag:s21], $0x4000  }
0x4e: {  	[sflag:s21] =	ssyncset.done $0x0  }
0x4f: {  	[sflag:s21] =	ssyncadd.s32 $0xFFFFC000  }
0x50: {  	_ =	swait.ge [sflag:s22], $0x4000  }
0x51: {  	[sflag:s22] =	ssyncset.done $0x0  }
0x52: {  	s26 =	simm.s32 $0x0;
	[sflag:s22] =	ssyncadd.s32 $0xFFFFC000  }
0x53: {  	[tilespmem:s26], [sflag:$0x5] =	stream.linear.gather [hbm4b:s9+s26], $0x1400, $0x38;
	[tilespmem:$0x1EC00] =	vst v63  }
0x54: {  	_ =	swait.ge [sflag:s14], $0x1400  }
0x55: {  	[sflag:s14] =	ssyncset.done $0x0  }
0x56: {  	[sflag:s14] =	ssyncadd.s32 $0xFFFFEC00  }
0x57: {  	[tilespmem:s15], [sflag:$0x5] =	stream.linear.gather [hbm4b:s10+s26], $0x1400, $0x38;
	[tilespmem:$0x1EC00] =	vst v63  }
0x58: {  	_ =	swait.ge [sflag:s14], $0x1400  }
0x59: {  	[sflag:s14] =	ssyncset.done $0x0  }
0x5a: {  	[sflag:s14] =	ssyncadd.s32 $0xFFFFEC00  }
0x5b: {  	[tilespmem:s17], [sflag:$0x1] =	stream.indirect.gather [hbm4b:s4+s16], $0x80, s26, s16, $0xb8;
	[tilespmem:$0x1EC00] =	vst v63  }
0x5c: {  	_ = 	snop  }
0x5d: {  	[tilespmem:s18], [sflag:$0x2] =	stream.indirect.gather [hbm4b:s4+s16], $0x80, s16, s16, $0xb8;
	[tilespmem:$0x1EC00] =	vst v63  }
0x5e: {  	_ =	swait.ge [sflag:s19], $0x4000  }
0x5f: {  	[sflag:s19] =	ssyncset.done $0x0  }
0x60: {  	s29 =	simm.s32 $0x1800;
	[sflag:s19] =	ssyncadd.s32 $0xFFFFC000  }
0x61: {  	[spmem:s1] =	stream.indirect.scatter.add.f32 [tilespmem:s17], [sflag:$0x3], $0x80, s29, s16, $0xb8;
	[tilespmem:$0x1EC00] =	vst v63  }
0x62: {  	_ =	swait.ge [sflag:s20], $0x4000  }
0x63: {  	[sflag:s20] =	ssyncset.done $0x0  }
0x64: {  	s30 =	simm.s32 $0x1880;
	[sflag:s20] =	ssyncadd.s32 $0xFFFFC000  }
0x65: {  	[spmem:s1] =	stream.indirect.scatter.add.f32 [tilespmem:s18], [sflag:$0x4], $0x80, s30, s16, $0xb8;
	[tilespmem:$0x1EC00] =	vst v63  }
0x66: {  	_ =	swait.ge [sflag:s21], $0x4000  }
0x67: {  	[sflag:s21] =	ssyncset.done $0x0  }
0x68: {  	s31 =	simm.s32 $0x100;
	[sflag:s21] =	ssyncadd.s32 $0xFFFFC000  }
0x69: {  	[tilespmem:s17], [sflag:$0x1] =	stream.indirect.gather [hbm4b:s4+s16], $0x80, s31, s16, $0xb8;
	[tilespmem:$0x1EC00] =	vst v63  }
0x6a: {  	_ =	swait.ge [sflag:s22], $0x4000  }
0x6b: {  	[sflag:s22] =	ssyncset.done $0x0  }
0x6c: {  	s28 =	simm.s32 $0x180;
	s26 =	simm.s32 $0x400;
	[sflag:s22] =	ssyncadd.s32 $0xFFFFC000  }
.LBB2_4:
0x6d: {  	[tilespmem:s18], [sflag:$0x2] =	stream.indirect.gather [hbm4b:s4+s16], $0x80, s28, s16, $0xb8;
	[tilespmem:$0x1EC00] =	vst v63  }
0x6e: {  	s28 =	smov.u32 s26  }
0x6f: {  	p0 =	sne.s32 s26, $0x4800;
	s26 =	sadd.s32 $0x400, s26;
	_ =	swait.ge [sflag:s19], $0x4000  }
0x70: {  	s28 =	sshra.s32 s28, $0x2;
	[sflag:s19] =	ssyncset.done $0x0  }
0x71: {  	s29 =	sadd.s32 $0x1800, s28;
	[sflag:s19] =	ssyncadd.s32 $0xFFFFC000  }
0x72: {  	[spmem:s1] =	stream.indirect.scatter.add.f32 [tilespmem:s17], [sflag:$0x3], $0x80, s29, s16, $0xb8;
	[tilespmem:$0x1EC00] =	vst v63  }
0x73: {  	_ =	swait.ge [sflag:s20], $0x4000  }
0x74: {  	[sflag:s20] =	ssyncset.done $0x0  }
0x75: {  	s29 =	sadd.s32 $0x1880, s28;
	[sflag:s20] =	ssyncadd.s32 $0xFFFFC000  }
0x76: {  	[spmem:s1] =	stream.indirect.scatter.add.f32 [tilespmem:s18], [sflag:$0x4], $0x80, s29, s16, $0xb8;
	[tilespmem:$0x1EC00] =	vst v63  }
0x77: {  	_ =	swait.ge [sflag:s21], $0x4000  }
0x78: {  	[sflag:s21] =	ssyncset.done $0x0  }
.Ltmp1:
0x79: {  	s29 =	sadd.s32 $0x100, s28;
	[sflag:s21] =	ssyncadd.s32 $0xFFFFC000;
	(pc) =	sbr.rel @p0 .LBB2_4-.Ltmp1, $4  }
0x7a: {  	[tilespmem:s17], [sflag:$0x1] =	stream.indirect.gather [hbm4b:s4+s16], $0x80, s29, s16, $0xb8;
	[tilespmem:$0x1EC00] =	vst v63  }
0x7b: {  	_ =	swait.ge [sflag:s22], $0x4000  }
0x7c: {  	[sflag:s22] =	ssyncset.done $0x0  }
0x7d: {  	s28 =	sadd.s32 $0x180, s28;
	[sflag:s22] =	ssyncadd.s32 $0xFFFFC000  }
0x7e: {  	[tilespmem:s18], [sflag:$0x2] =	stream.indirect.gather [hbm4b:s4+s16], $0x80, s28, s16, $0xb8;
	[tilespmem:$0x1EC00] =	vst v63  }
0x7f: {  	_ =	swait.ge [sflag:s19], $0x4000  }
0x80: {  	[sflag:s19] =	ssyncset.done $0x0  }
0x81: {  	[sflag:s19] =	ssyncadd.s32 $0xFFFFC000  }
0x82: {  	[spmem:s1] =	stream.indirect.scatter.add.f32 [tilespmem:s17], [sflag:$0x3], $0x80, s23, s16, $0xb8;
	[tilespmem:$0x1EC00] =	vst v63  }
0x83: {  	_ =	swait.ge [sflag:s20], $0x4000  }
0x84: {  	[sflag:s20] =	ssyncset.done $0x0  }
0x85: {  	[sflag:s20] =	ssyncadd.s32 $0xFFFFC000  }
0x86: {  	[spmem:s1] =	stream.indirect.scatter.add.f32 [tilespmem:s18], [sflag:$0x4], $0x80, s24, s16, $0xb8;
	[tilespmem:$0x1EC00] =	vst v63  }
0x87: {  	_ =	swait.ge [sflag:s21], $0x4000  }
0x88: {  	[sflag:s21] =	ssyncset.done $0x0  }
0x89: {  	[sflag:s21] =	ssyncadd.s32 $0xFFFFC000  }
0x8a: {  	_ =	swait.ge [sflag:s22], $0x4000  }
0x8b: {  	s25 =	sadd.s32 $0x1, s25;
	[sflag:s22] =	ssyncset.done $0x0  }
0x8c: {  	p0 =	sne.s32 s25, s12;
	[sflag:s22] =	ssyncadd.s32 $0xFFFFC000  }
.Ltmp2:
0x8d: {  	[bflag:$0x0] =	sbarrier.arrive $0xFFFF;
	(pc) =	sbr.rel @p0 .LBB2_1-.Ltmp2, $4  }
0x8e: {  	[hbm:s11], [sflag:s6] =	dma.local [spmem:s13], $0x2780  }
0x8f: {  	_ =	swait.ge [sflag:s14], $0x2780  }
0x90: {  	[sflag:s14] =	ssyncset.done $0x0  }
0x91: {  	[sflag:s14] =	ssyncadd.s32 $0xFFFFD880  }
0x92: {  	_ =	sfence.sel $0x180000  }
0x93: {  	[bflag:$0x0] =	sbarrier.arrive $0xFFFF  }
0x94: {  	p0 =	sne.s32 s2, $0x0;
	_ =	strace $0x9000004D  }
0x95: {  	s0 =	sadd.s32 @!p0 $0x100000, s0;
	[bflag:$0x2] =	sbarrier.arrive $0xFFFF  }
0x96: {  	[sflag:s0] =	ssyncadd.tile.s32 @!p0 $0x1;
	_ =	shalt  }
.Lfunc_end2:
_tile_overlayer_lowered:
.L_overlay_start_2:
0x97: {  	(tag) =	ssettag $0x2  }
0x98: {  	s0 =	rddreg [dreg:$0x0];
	s2 =	stileid.u32  }
0x99: {  	s1 =	rddreg [dreg:$0x1];
	p0 =	sne.s32 s2, $0x0  }
0x9a: {  	s3 =	rddreg [dreg:$0x2];
	[bflag:$0x3] =	sbarrier.arrive $0xFFFF;
	s2 =	simm.s32 @!p0 $0x1C05  }
0x9b: {  	[timem:s3], [sflag:s2] =	dma.local @!p0 [hbm:s0], s1  }
0x9c: {  	s0 =	simm.s32 @!p0 $0x5  }
0x9d: {  	_ =	swait.ge @!p0 [sflag:s0], s1  }
0x9e: {  	s1 =	ssub.s32 @!p0 $0x0, s1;
	[sflag:s0] =	ssyncset.done @!p0 $0x0  }
0x9f: {  	[sflag:s0] =	ssyncadd.s32 @!p0 s1  }
0xa0: {  	[bflag:$0x3] =	sbarrier.arrive $0xFFFF  }
0xa1: {  	_ =	shalt  }

// kernel: kernel.8.cloned.1.call-start
scs
__scs_entry_jumppad:
0x0: {  	(pc) =	sbr.rel $0x88, $3  }
0x1: {  	(tag) =	ssettag $0x0;
	lr =	simm.s32 $0x1  }
0x2: {  	[smem:$0x3F9B] =	sst lr;
	_ =	strace $0xD0000000  }
0x3: {  	_ = 	snop  }
0x4: {  	_ = 	snop  }
0x5: {  	_ = 	snop  }
0x6: {  	_ = 	snop  }
0x7: {  	_ = 	snop  }
__scs_overlays_trampoline_lowered:
0x8: {  	[smem:$0x3FAA] =	sst s0  }
0x9: {  	[smem:$0x3FAB] =	sst s1  }
0xa: {  	[smem:$0x3FAC] =	sst s2  }
0xb: {  	[smem:$0x3FAD] =	sst s3  }
0xc: {  	[smem:$0x3FAE] =	sst s4  }
0xd: {  	[smem:$0x3FAF] =	sst s5  }
0xe: {  	[smem:$0x3FB0] =	sst s6  }
0xf: {  	[smem:$0x3FB1] =	sst s7  }
0x10: {  	[smem:$0x3FB2] =	sst s8  }
0x11: {  	[smem:$0x3FB3] =	sst s9;
	s0 =	simm.s32 @!p0 $0x0  }
0x12: {  	s1 =	sld [smem:$0x3F99];
	s0 =	simm.s32 @p0 $0x1  }
0x13: {  	[smem:$0x3FB4] =	sst s0;
	s0 =	simm.s32 @!p1 $0x0  }
0x14: {  	s2 =	sld [smem:$0x3F98];
	s0 =	simm.s32 @p1 $0x1  }
0x15: {  	[smem:$0x3FB5] =	sst s0;
	s0 =	simm.s32 @!p2 $0x0  }
0x16: {  	s3 =	sld [smem:$0x3FDB];
	s0 =	simm.s32 @p2 $0x1  }
0x17: {  	s4 =	simm.s32 $0x1BF5;
	[smem:$0x3FB7] =	sst s0  }
0x18: {  	s0 =	sld [smem:$0x3F9A];
	_ =	swait.ge [sflag:s4], $0x0  }
0x19: {  	s7 =	sld [smem:$0x3F9B]  }
0x1a: {  	s8 =	sadd.s32 $0xFFFFE003, lr  }
0x1b: {  	s9 =	sadd.s32 $0xFFFFFEF7, lr;
	s5 =	simm.s32 $0xFFFFFFFF;
	p2 =	slt.u32 s8, $0xFFFFF086  }
0x1c: {  	p1 =	slt.u32 s9, $0xF7A;
	s5 =	simm.s32 @!p2 $0x0  }
0x1d: {  	s5 =	simm.s32 @p1 $0x1;
	p0 =	seq.s32 s7, s2  }
0x1e: {  	s7 =	smul.u32 @!p0 $0xF7A, s2;
	p2 =	seq.s32 @!p0 s5, $0x0  }
0x1f: {  	s9 =	smul.u32 $0xF7A, s1;
	s8 =	simm.s32 @!p0 $0x1BF5;
	p2 =	por !p2, p0  }
0x20: {  	[sflag:s8] =	ssyncset.s32 @!p0 $0xFFFFF086;
	s6 =	sadd.s32 @!p0 s3, s7;
	s7 =	simm.s32 @!p0 $0x108  }
0x21: {  	s3 =	sadd.s32 s3, s9;
	s6 =	sadd.s32 @!p0 $0x88, s6;
	s7 =	simm.s32 @p2 $0x1082  }
0x22: {  	[simem:s7], [sflag:s8] =	dma.local @!p0 [hbm:s6], $0xF7A  }
0x23: {  	s9 =	sor.u32 $0xD0000000, s2;
	s6 =	simm.s32 $0x108;
	_ =	swait.ge @!p0 [sflag:s8], $0x0  }
0x24: {  	s3 =	sadd.s32 $0x88, s3;
	s6 =	simm.s32 @!p1 $0x1082;
	[sflag:s4] =	ssyncset.s32 $0xFFFFF086  }
0x25: {  	[simem:s6], [sflag:s4] =	dma.local [hbm:s3], $0xF7A  }
0x26: {  	[smem:$0x3F9B] =	sst s1;
	(tag) =	ssettag s2;
	_ =	strace s9  }
0x27: {  	s1 =	sld [smem:$0x3FAB]  }
0x28: {  	s2 =	sld [smem:$0x3FAC]  }
0x29: {  	s4 =	sld [smem:$0x3FAE]  }
0x2a: {  	p0 =	seq.s32 s5, $0x0;
	s5 =	sld [smem:$0x3FAF]  }
0x2b: {  	s6 =	sld [smem:$0x3FB0]  }
0x2c: {  	s7 =	sld [smem:$0x3FB1]  }
0x2d: {  	s3 =	simm.s32 $0x108;
	s8 =	sld [smem:$0x3FB2]  }
0x2e: {  	s3 =	simm.s32 @!p0 $0x1082;
	s9 =	sld [smem:$0x3FB3]  }
0x2f: {  	lr =	sadd.s32 s0, s3;
	s0 =	sld [smem:$0x3FAA]  }
0x30: {  	s3 =	sld [smem:$0x3FAD]  }
0x31: {  	[smem:$0x3FB6] =	sst s10  }
0x32: {  	s10 =	sld [smem:$0x3FB4];
	_ =	sdelay $0x3  }
0x33: {  	p0 =	seq.s32 s10, $0x1;
	s10 =	sld [smem:$0x3FB6];
	_ =	sdelay $0x3  }
0x34: {  	[smem:$0x3FB6] =	sst s10  }
0x35: {  	s10 =	sld [smem:$0x3FB5];
	_ =	sdelay $0x3  }
0x36: {  	p1 =	seq.s32 s10, $0x1;
	s10 =	sld [smem:$0x3FB6];
	_ =	sdelay $0x3  }
0x37: {  	[smem:$0x3FB6] =	sst s10  }
0x38: {  	s10 =	sld [smem:$0x3FB7]  }
0x39: {  	_ = 	snop;
	(pc) =	sbr.ind lr, $3  }
0x3a: {  	_ = 	snop  }
0x3b: {  	_ = 	snop  }
0x3c: {  	p2 =	seq.s32 s10, $0x1;
	s10 =	sld [smem:$0x3FB6]  }
0x3d: {  	_ =	shalt  }
0x3e: {  	_ =	shalt  }
0x3f: {  	_ =	shalt  }
0x40: {  	_ =	shalt  }
0x41: {  	_ =	shalt  }
0x42: {  	_ =	shalt  }
0x43: {  	_ =	shalt  }
0x44: {  	_ =	shalt  }
0x45: {  	_ =	shalt  }
0x46: {  	_ =	shalt  }
0x47: {  	_ =	shalt  }
0x48: {  	_ =	shalt  }
0x49: {  	_ =	shalt  }
0x4a: {  	_ =	shalt  }
0x4b: {  	_ =	shalt  }
0x4c: {  	_ =	shalt  }
0x4d: {  	_ =	shalt  }
0x4e: {  	_ =	shalt  }
0x4f: {  	_ =	shalt  }
0x50: {  	_ =	shalt  }
0x51: {  	_ =	shalt  }
0x52: {  	_ =	shalt  }
0x53: {  	_ =	shalt  }
0x54: {  	_ =	shalt  }
0x55: {  	_ =	shalt  }
0x56: {  	_ =	shalt  }
0x57: {  	_ =	shalt  }
0x58: {  	_ =	shalt  }
0x59: {  	_ =	shalt  }
0x5a: {  	_ =	shalt  }
0x5b: {  	_ =	shalt  }
0x5c: {  	_ =	shalt  }
0x5d: {  	_ =	shalt  }
0x5e: {  	_ =	shalt  }
0x5f: {  	_ =	shalt  }
0x60: {  	_ =	shalt  }
0x61: {  	_ =	shalt  }
0x62: {  	_ =	shalt  }
0x63: {  	_ =	shalt  }
0x64: {  	_ =	shalt  }
0x65: {  	_ =	shalt  }
0x66: {  	_ =	shalt  }
0x67: {  	_ =	shalt  }
0x68: {  	_ =	shalt  }
0x69: {  	_ =	shalt  }
0x6a: {  	_ =	shalt  }
0x6b: {  	_ =	shalt  }
0x6c: {  	_ =	shalt  }
0x6d: {  	_ =	shalt  }
0x6e: {  	_ =	shalt  }
0x6f: {  	_ =	shalt  }
0x70: {  	_ =	shalt  }
0x71: {  	_ =	shalt  }
0x72: {  	_ =	shalt  }
0x73: {  	_ =	shalt  }
0x74: {  	_ =	shalt  }
0x75: {  	_ =	shalt  }
0x76: {  	_ =	shalt  }
0x77: {  	_ =	shalt  }
0x78: {  	_ =	shalt  }
0x79: {  	_ =	shalt  }
0x7a: {  	_ =	shalt  }
0x7b: {  	_ =	shalt  }
0x7c: {  	_ =	shalt  }
0x7d: {  	_ =	shalt  }
0x7e: {  	_ =	shalt  }
0x7f: {  	_ =	shalt  }
0x80: {  	_ =	shalt  }
0x81: {  	_ =	shalt  }
0x82: {  	_ =	shalt  }
0x83: {  	_ =	shalt  }
0x84: {  	_ =	shalt  }
0x85: {  	_ =	shalt  }
0x86: {  	_ =	shalt  }
0x87: {  	_ =	shalt  }
.Lfunc_end0:
.L_simem_size_0:
called_computation_lowered:
.L_overlay_start_0:
0x88: {  	s2 =	sld [smem:$0x3FD9]  }
0x89: {  	s3 =	sld [smem:$0x3FFE];
	_ =	sdelay $0x1  }
0x8a: {  	s1 =	srdreg.scid  }
0x8b: {  	s0 =	sand.u32 $0x1, s1  }
0x8c: {  	s17 =	sshll.u32 s0, $0xA;
	s2 =	sadd.s32 s3, s2  }
0x8d: {  	s2 =	sadd.s32 s2, s17  }
0x8e: {  	[smem:$0x3FC2] =	sst s2  }
0x8f: {  	_ = 	snop  }
0x90: {  	s2 =	sld [smem:$0x3FD0];
	(tm) =	ssettm $0x1  }
0x91: {  	s18 =	sld [smem:$0x3FFB];
	_ =	sdelay $0x3  }
0x92: {  	_ =	strace s18  }
0x93: {  	s3 =	sld [smem:$0x3FFC];
	_ =	sdelay $0x3  }
0x94: {  	_ =	strace s3  }
0x95: {  	s3 =	sld [smem:$0x3FFD];
	_ =	sdelay $0x3  }
0x96: {  	_ =	strace s3  }
0x97: {  	_ =	strace $0x8FFFFFFF  }
0x98: {  	s19 =	sld [smem:$0x3FDB];
	_ =	sdelay $0x1  }
0x99: {  	s4 =	simm.s32 $_scs_section_size  }
0x9a: {  	s5 =	simm.s32 $_size__tile_overlayer_lowered;
	s6 =	simm.s32 $_tile_overlayer_lowered  }
0x9b: {  	s22 =	simm.s32 $0x1BFF;
	s21 =	sshll.u32 s6, $0x1;
	s3 =	sadd.s32 s4, s19  }
0x9c: {  	s7 =	simm.s32 $0x0;
	s20 =	sshll.u32 s5, $0x1;
	s5 =	sadd.s32 s21, s3  }
0x9d: {  	[timem:s7], [sflag:s22] =	dma.local [hbm:s5], s20  }
0x9e: {  	_ =	swait.ge [sflag:s22], s20  }
0x9f: {  	s4 =	ssub.s32 $0x0, s20;
	[sflag:s22] =	ssyncset.done $0x0  }
0xa0: {  	[sflag:s22] =	ssyncadd.s32 s4;
	_ =	sdelay $0x1  }
0xa1: {  	s23 =	simm.s32 $0x1B8B  }
0xa2: {  	_ =	swait.ge [sflag:s23], $0x1  }
0xa3: {  	[sflag:s23] =	ssyncset.done $0x0  }
0xa4: {  	s25 =	simm.s32 $0x1B8E;
	s24 =	sld [smem:$0x3FFE];
	[sflag:s23] =	ssyncadd.s32 $0xFFFFFFFF  }
0xa5: {  	s26 =	simm.s32 $execute0_lowered;
	[smem:$0x3FD2] =	sst s25  }
0xa6: {  	s5 =	sshll.u32 s26, $0x1;
	_ =	strace $0x80000046;
	[dreg:$0x1] =	wrdreg $0xFFFFFFFF  }
0xa7: {  	s28 =	simm.s32 $_size_execute0_lowered;
	s3 =	sadd.s32 s3, s5;
	[dreg:$0x0] =	wrdreg $0x0  }
0xa8: {  	s5 =	sshll.u32 s28, $0x1;
	[dreg:$0x2] =	wrdreg s3  }
0xa9: {  	[dreg:$0x3] =	wrdreg s5  }
0xaa: {  	[dreg:$0x4] =	wrdreg $0xC0  }
0xab: {  	_ =	task [dreg:s7], $0x5FFFF  }
0xac: {  	[dreg:$0x1] =	wrdreg $0xFFFFFFFF  }
0xad: {  	[dreg:$0x0] =	wrdreg $0x60  }
0xae: {  	[dreg:$0x2] =	wrdreg s2  }
0xaf: {  	[dreg:$0x3] =	wrdreg s24  }
0xb0: {  	[dreg:$0x4] =	wrdreg $0x68000  }
0xb1: {  	[dreg:$0x5] =	wrdreg $0x9  }
0xb2: {  	_ =	task.clear_ibuf [dreg:s7], $0x6FFFF;
	_ =	strace $0x90000046  }
0xb3: {  	s29 =	simm.s32 $0x9;
	_ =	strace $0x80000048  }
0xb4: {  	_ =	swait.ge [sflag:s29], $0x1  }
0xb5: {  	[sflag:s29] =	ssyncadd.s32 $0xFFFFFFFF  }
0xb6: {  	_ =	strace $0x90000048  }
0xb7: {  	_ =	sfence  }
0xb8: {  	s30 =	sld [smem:$0x0];
	_ =	sdelay $0x2  }
0xb9: {  	s31 =	sshll.u32 s1, $0xD;
	s1 =	sshrl.u32 s1, $0x2  }
0xba: {  	s3 =	sand.u32 $0x4000, s31;
	s1 =	sadd.s32 s1, s30  }
0xbb: {  	s0 =	sor.u32 s3, s0;
	s1 =	sshll.u32 s1, $0x11  }
0xbc: {  	s0 =	sor.u32 s1, s0  }
0xbd: {  	s0 =	sadd.s32 $0x8F2B, s0  }
0xbe: {  	[sflag:s0] =	ssyncadd.remote.s32 $0x1  }
0xbf: {  	_ =	sfence.sel $0xFFFF  }
0xc0: {  	[dreg:$0x0] =	wrdreg $0xFFFFFFFF;
	(pc) =	sbr.abs _section_cstart, $3  }
0xc1: {  	[dreg:$0x1] =	wrdreg $0xFFFFFFFF  }
0xc2: {  	_ =	task.clear_ibuf [dreg:s7], $0x2FFFF;
	_ =	strace $0x9FFFFFFF  }
0xc3: {  	(tm) =	ssettm $0x7FFFFFFF  }
tec
execute0_lowered:
.L_overlay_start_1:
0x0: {  	(tag) =	ssettag $0x1  }
0x1: {  	s6 =	rddreg [dreg:$0x0]  }
0x2: {  	s7 =	rddreg [dreg:$0x1]  }
0x3: {  	s1 =	rddreg [dreg:$0x2]  }
0x4: {  	s0 =	rddreg [dreg:$0x3];
	s3 =	simm.s32 $0x0;
	s2 =	srdreg.scid  }
0x5: {  	s13 =	simm.s32 $0x80;
	[smem:$0x7FF] =	sst s3;
	s8 =	sand.u32 $0x1, s2  }
0x6: {  	s14 =	simm.s32 $0x0;
	s2 =	stileid.u32;
	s9 =	smul.u32 $0x13C000, s8  }
0x7: {  	s4 =	sadd.s32 $0x1E00, s7;
	s5 =	sadd.s32 $0x2600, s7;
	s10 =	smul.u32 $0x13C00, s2  }
0x8: {  	_ =	strace $0x80000047;
	s11 =	sshll.u32 s8, $0x4;
	s29 =	smul.u32 $0x4F000, s2  }
0x9: {  	s8 =	ssub.s32 $0x2, s8;
	s31 =	sshll.u32 s2, $0x6;
	s28 =	sor.u32 s2, s11  }
0xa: {  	s30 =	sshrl.u32 s8, $0x1;
	s9 =	sadd.s32 s10, s9;
	s10 =	smul.u32 $0x500, s28  }
0xb: {  	s11 =	sshrl.u32 s29, $0x2;
	s8 =	ssub.s32 s8, s30;
	s9 =	sshrl.u32 s9, $0x3  }
0xc: {  	s12 =	sadd.s32 s11, s1;
	s8 =	smax.u32 s8, $0x1;
	s11 =	sor.u32 $0x1C01, s31  }
0xd: {  	s7 =	sadd.s32 s9, s7;
	s6 =	sadd.s32 s6, s10;
	s9 =	simm.s32 $0x1  }
0xe: {  	s10 =	simm.s32 $0x2800;
	s12 =	sshrl.u32 s12, $0x3;
	s7 =	sadd.s32 $0x4E00, s7  }
.LBB2_1:
0xf: {  	[tilespmem:s3], [sflag:$0x1] =	stream.linear.gather [hbm4b:s6+s3], $0x2800, $0x38;
	[tilespmem:$0x1A400] =	vst v63  }
0x10: {  	_ =	swait.ge [sflag:s9], $0x2800  }
0x11: {  	[sflag:s9] =	ssyncset.done $0x0  }
0x12: {  	[sflag:s9] =	ssyncadd.s32 $0xFFFFD800  }
0x13: {  	[tilespmem:s10], [sflag:$0x1] =	stream.linear.gather [hbm4b:s4+s3], $0x4000, $0x38;
	[tilespmem:$0x1A400] =	vst v63  }
0x14: {  	_ =	swait.ge [sflag:s9], $0x4000  }
0x15: {  	[sflag:s9] =	ssyncset.done $0x0  }
0x16: {  	[sflag:s9] =	ssyncadd.s32 $0xFFFFC000  }
0x17: {  	[spmem:s12], [sflag:s11] =	dma.local [hbm:s5], $0x2780  }
0x18: {  	_ =	swait.ge [sflag:s9], $0x2780  }
0x19: {  	[sflag:s9] =	ssyncset.done $0x0  }
0x1a: {  	[sflag:s9] =	ssyncadd.s32 $0xFFFFD880  }
0x1b: {  	s15 =	simm.s32 $0x0;
	[bflag:$0x0] =	sbarrier.arrive $0xFFFF  }
0x1c: {  	[spmem:s1] =	stream.indirect.scatter.add.f32 [tilespmem:s10], [sflag:$0x1], $0x80, s15, s13, $0xb8;
	[tilespmem:$0x1A400] =	vst v63  }
0x1d: {  	_ =	swait.ge [sflag:s9], $0x4000  }
0x1e: {  	s15 =	simm.s32 $0x200;
	[sflag:s9] =	ssyncset.done $0x0  }
.LBB2_2:
0x1f: {  	s16 =	sshra.s32 s15, $0x2;
	[sflag:s9] =	ssyncadd.s32 $0xFFFFC000;
	p0 =	sne.s32 s15, $0x9E00  }
0x20: {  	[spmem:s1] =	stream.indirect.scatter.add.f32 [tilespmem:s10], [sflag:$0x1], $0x80, s16, s13, $0xb8;
	[tilespmem:$0x1A400] =	vst v63  }
.Ltmp0:
0x21: {  	_ = 	snop;
	(pc) =	sbr.rel @p0 .LBB2_2-.Ltmp0, $4  }
0x22: {  	_ = 	snop  }
0x23: {  	s15 =	sadd.s32 $0x200, s15  }
0x24: {  	_ =	swait.ge [sflag:s9], $0x4000  }
0x25: {  	[sflag:s9] =	ssyncset.done $0x0  }
0x26: {  	s14 =	sadd.s32 $0x1, s14  }
0x27: {  	[sflag:s9] =	ssyncadd.s32 $0xFFFFC000;
	p0 =	sne.s32 s14, s8  }
.Ltmp1:
0x28: {  	[bflag:$0x0] =	sbarrier.arrive $0xFFFF;
	(pc) =	sbr.rel @p0 .LBB2_1-.Ltmp1, $4  }
0x29: {  	[hbm:s7], [sflag:s11] =	dma.local [spmem:s12], $0x2780  }
0x2a: {  	_ =	swait.ge [sflag:s9], $0x2780  }
0x2b: {  	[sflag:s9] =	ssyncset.done $0x0  }
0x2c: {  	[sflag:s9] =	ssyncadd.s32 $0xFFFFD880  }
0x2d: {  	_ =	sfence.sel $0x180000  }
0x2e: {  	[bflag:$0x0] =	sbarrier.arrive $0xFFFF  }
0x2f: {  	p0 =	sne.s32 s2, $0x0;
	_ =	strace $0x90000047  }
0x30: {  	s0 =	sadd.s32 @!p0 $0x100000, s0;
	[bflag:$0x2] =	sbarrier.arrive $0xFFFF  }
0x31: {  	[sflag:s0] =	ssyncadd.tile.s32 @!p0 $0x1;
	_ =	shalt  }
.Lfunc_end2:
_tile_overlayer_lowered:
.L_overlay_start_2:
0x32: {  	(tag) =	ssettag $0x2  }
0x33: {  	s0 =	rddreg [dreg:$0x0];
	s2 =	stileid.u32  }
0x34: {  	s1 =	rddreg [dreg:$0x1];
	p0 =	sne.s32 s2, $0x0  }
0x35: {  	s3 =	rddreg [dreg:$0x2];
	[bflag:$0x3] =	sbarrier.arrive $0xFFFF;
	s2 =	simm.s32 @!p0 $0x1C01  }
0x36: {  	[timem:s3], [sflag:s2] =	dma.local @!p0 [hbm:s0], s1  }
0x37: {  	s0 =	simm.s32 @!p0 $0x1  }
0x38: {  	_ =	swait.ge @!p0 [sflag:s0], s1  }
0x39: {  	s1 =	ssub.s32 @!p0 $0x0, s1;
	[sflag:s0] =	ssyncset.done @!p0 $0x0  }
0x3a: {  	[sflag:s0] =	ssyncadd.s32 @!p0 s1  }
0x3b: {  	[bflag:$0x3] =	sbarrier.arrive $0xFFFF  }
0x3c: {  	_ =	shalt  }

</sc_bundles>
